<compile_context>
chip_gen: v7x
topology: tpu7x:2x2x1
jax: 0.10.2.dev20260603
libtpu: 0.0.44.dev20260713+nightly
codegen_flags: <defaults>
</compile_context>

<pallas_src>
import functools

import jax
import jax.numpy as jnp
from jax import lax
from jax.experimental import pallas as pl
from jax.experimental.pallas import tpu as pltpu
from jax.experimental.pallas import tpu_sc as plsc

_LANES = 16


@functools.lru_cache(maxsize=None)
def _make_sc_kernel(B, T, V, D, chunk):
    info = plsc.get_sparse_core_info()
    NC, NS = info.num_cores, info.num_subcores
    NW = NC * NS
    N = B * T
    n_chunks = N // chunk
    cpt = B // chunk
    cpw = n_chunks // NW
    nbuf = 5
    nsub = D // _LANES
    pspan = min(cpw // cpt + 1, T)

    mesh = plsc.VectorSubcoreMesh(core_axis_name="c", subcore_axis_name="s")

    @functools.partial(
        pl.kernel,
        mesh=mesh,
        out_type=jax.ShapeDtypeStruct((N, D), jnp.float32),
        scratch_types=[
            pltpu.VMEM((cpw * chunk,), jnp.int32),
            pltpu.VMEM((pspan * D,), jnp.float32),
            pltpu.VMEM((chunk,), jnp.int32),
        ]
        + [pltpu.VMEM((chunk, D), jnp.float32) for _ in range(nbuf)]
        + [pltpu.VMEM((chunk,), jnp.int32) for _ in range(nbuf)]
        + [pltpu.SemaphoreType.DMA for _ in range(2 * nbuf)],
    )
    def k(xt_hbm, tok_hbm, pos_hbm, out_hbm, idx_v, pos_v, ramp_v, *rest):
        bufs = rest[:nbuf]
        dsts = rest[nbuf:2 * nbuf]
        gsems = rest[2 * nbuf:3 * nbuf]
        osems = rest[3 * nbuf:]
        w = lax.axis_index("s") * NC + lax.axis_index("c")
        base = w * cpw
        t0 = base // cpt
        pltpu.sync_copy(pos_hbm.at[pl.ds(t0 * D, pspan * D)], pos_v)
        pltpu.sync_copy(xt_hbm.at[pl.ds(base * chunk, cpw * chunk)], idx_v)

        lane = lax.iota(jnp.int32, _LANES)
        for sub in range(chunk // _LANES):
            ramp_v[pl.ds(sub * _LANES, _LANES)] = (lane + sub * _LANES) * T

        def gather(cc, b):
            idx = idx_v.at[pl.ds(cc * chunk, chunk)]
            return pltpu.make_async_copy(tok_hbm.at[idx], bufs[b], gsems[b])

        def out_copy(cc, b):
            return pltpu.make_async_copy(bufs[b], out_hbm.at[dsts[b]],
                                         osems[b])

        def process(cc, b):
            g = base + cc
            t = g // cpt
            base_b = (g % cpt) * chunk
            off = base_b * T + t
            for sub in range(chunk // _LANES):
                sl = pl.ds(sub * _LANES, _LANES)
                dsts[b][sl] = ramp_v[sl] + off
            prow = (t - t0) * D
            pvec = [pos_v[pl.ds(prow + sub * _LANES, _LANES)]
                    for sub in range(nsub)]

            buf = bufs[b]

            def body(r, carry):
                for sub in range(nsub):
                    plsc.addupdate(buf.at[r, pl.ds(sub * _LANES, _LANES)],
                                   pvec[sub])
                return carry

            lax.fori_loop(0, chunk, body, 0)

        gather(0, 0).start()
        gather(1, 1).start()
        gather(2, 2).start()

        def ring_body(i, carry):
            for b in range(nbuf):
                cc = nbuf * i + b
                b2 = (b + 3) % nbuf

                @pl.when(cc + 3 - nbuf >= 0)
                def _():
                    out_copy(cc + 3 - nbuf, b2).wait()

                @pl.when(cc + 3 < cpw)
                def _():
                    gather(cc + 3, b2).start()

                gather(cc, b).wait()
                process(cc, b)
                out_copy(cc, b).start()
            return carry

        lax.fori_loop(0, cpw // nbuf, ring_body, 0)
        for cc in range(cpw - (nbuf - 3), cpw):
            out_copy(cc, cc % nbuf).wait()

    return k


def kernel(x, token_table, pos_table):
    B, T = x.shape
    V, D = token_table.shape
    chunk = 128
    k = _make_sc_kernel(B, T, V, D, chunk)
    xt = x.T.reshape(T * B).astype(jnp.int32)
    out = k(xt, token_table, pos_table.reshape(T * D))
    return out.reshape(B, T, D)

# --- scband reference (transcript-rebuilt; emitter-appended) ---
"""Pipeline reference for scband-token-and-position-embedding1-48412871360555 (READ-ONLY COPY).

The authoritative reference and input builder live on the scoring server;
editing this copy changes nothing except your own understanding.
"""

import jax, jax.numpy as jnp
import numpy as np

VOCAB = 100000
MAXLEN = 200
EMBED = 128
BATCH = 1024

def setup_inputs(seed: int = 0) -> dict:
    key = jax.random.key(seed)
    k1, k2, k3 = jax.random.split(key, 3)
    x = jax.random.randint(k1, (BATCH, MAXLEN), 0, VOCAB, dtype=jnp.int64 if jax.config.jax_enable_x64 else jnp.int32)
    # keras Embedding default init: uniform(-0.05, 0.05)
    token_table = jax.random.uniform(k2, (VOCAB, EMBED), dtype=jnp.float32, minval=-0.05, maxval=0.05)
    pos_table = jax.random.uniform(k3, (MAXLEN, EMBED), dtype=jnp.float32, minval=-0.05, maxval=0.05)
    return {"x": x, "token_table": token_table, "pos_table": pos_table}

def reference(x, token_table, pos_table):
    maxlen = x.shape[-1]
    positions = jnp.arange(0, maxlen)
    pos_emb = jnp.take(pos_table, positions, axis=0)          # [maxlen, embed]
    tok_emb = jnp.take(token_table, x, axis=0)                # [batch, maxlen, embed]
    return tok_emb + pos_emb[None, :, :]

if __name__ == "__main__":
    import jax
    _d = setup_inputs()
    print(jax.jit(kernel)(*tuple(_d.values())))

</pallas_src>

<mosaic_0001>
#map = affine_map<(d0, d1) -> (0)>
#map1 = affine_map<(d0, d1) -> (0, 0)>
module attributes {stable_mosaic.version = 14 : i64} {
  func.func @k(%arg0: i32, %arg1: i32, %arg2: memref<204800xi32, #tpu.memory_space<hbm>>, %arg3: memref<100000x128xf32, #tpu.memory_space<hbm>>, %arg4: memref<25600xf32, #tpu.memory_space<hbm>>, %arg5: memref<204800x128xf32, #tpu.memory_space<hbm>>, %arg6: memref<6400xi32, #tpu.memory_space<vmem>>, %arg7: memref<896xf32, #tpu.memory_space<vmem>>, %arg8: memref<128xi32, #tpu.memory_space<vmem>>, %arg9: memref<128x128xf32, #tpu.memory_space<vmem>>, %arg10: memref<128x128xf32, #tpu.memory_space<vmem>>, %arg11: memref<128x128xf32, #tpu.memory_space<vmem>>, %arg12: memref<128x128xf32, #tpu.memory_space<vmem>>, %arg13: memref<128x128xf32, #tpu.memory_space<vmem>>, %arg14: memref<128xi32, #tpu.memory_space<vmem>>, %arg15: memref<128xi32, #tpu.memory_space<vmem>>, %arg16: memref<128xi32, #tpu.memory_space<vmem>>, %arg17: memref<128xi32, #tpu.memory_space<vmem>>, %arg18: memref<128xi32, #tpu.memory_space<vmem>>, %arg19: memref<!tpu.dma_semaphore, #tpu.memory_space<semaphore_mem>>, %arg20: memref<!tpu.dma_semaphore, #tpu.memory_space<semaphore_mem>>, %arg21: memref<!tpu.dma_semaphore, #tpu.memory_space<semaphore_mem>>, %arg22: memref<!tpu.dma_semaphore, #tpu.memory_space<semaphore_mem>>, %arg23: memref<!tpu.dma_semaphore, #tpu.memory_space<semaphore_mem>>, %arg24: memref<!tpu.dma_semaphore, #tpu.memory_space<semaphore_mem>>, %arg25: memref<!tpu.dma_semaphore, #tpu.memory_space<semaphore_mem>>, %arg26: memref<!tpu.dma_semaphore, #tpu.memory_space<semaphore_mem>>, %arg27: memref<!tpu.dma_semaphore, #tpu.memory_space<semaphore_mem>>, %arg28: memref<!tpu.dma_semaphore, #tpu.memory_space<semaphore_mem>>) attributes {dimension_semantics = [#tpu.dimension_semantics<core_parallel>, #tpu.dimension_semantics<subcore_parallel>], iteration_bounds = array<i64: 2, 16>, scalar_prefetch = 0 : i64, scratch_operands = 23 : i64, tpu.core_type = #tpu.core_type<sc_vector_subcore>, window_params = [{transform_indices = #map}, {transform_indices = #map1}, {transform_indices = #map}, {transform_indices = #map1}]} {
    %mul3A = arith.constant 2 : i32
    %mul3A_0 = arith.muli %arg1, %mul3A : i32
    %add3A = arith.addi %mul3A_0, %arg0 : i32
    %mul3A_1 = arith.constant 50 : i32
    %mul3A_2 = arith.muli %add3A, %mul3A_1 : i32
    %jit3A = arith.constant 8 : i32
    %div3A = arith.divsi %mul3A_2, %jit3A : i32
    %sign3A = arith.constant 0 : i32
    %sign3A_3 = arith.cmpi sgt, %mul3A_2, %sign3A : i32
    %sign3A_4 = arith.extui %sign3A_3 : i1 to i32
    %sign3A_5 = arith.constant 0 : i32
    %sign3A_6 = arith.cmpi slt, %mul3A_2, %sign3A_5 : i32
    %sign3A_7 = arith.extui %sign3A_6 : i1 to i32
    %sign3A_8 = arith.subi %sign3A_4, %sign3A_7 : i32
    %sign3A_9 = arith.constant 0 : i32
    %sign3A_10 = arith.cmpi sgt, %jit3A, %sign3A_9 : i32
    %sign3A_11 = arith.extui %sign3A_10 : i1 to i32
    %sign3A_12 = arith.constant 0 : i32
    %sign3A_13 = arith.cmpi slt, %jit3A, %sign3A_12 : i32
    %sign3A_14 = arith.extui %sign3A_13 : i1 to i32
    %sign3A_15 = arith.subi %sign3A_11, %sign3A_14 : i32
    %ne3A = arith.cmpi ne, %sign3A_8, %sign3A_15 : i32
    %rem3A = arith.remsi %mul3A_2, %jit3A : i32
    %ne3A_16 = arith.constant 0 : i32
    %ne3A_17 = arith.cmpi ne, %rem3A, %ne3A_16 : i32
    %and3A = arith.andi %ne3A, %ne3A_17 : i1
    %sub3A = arith.constant 1 : i32
    %sub3A_18 = arith.subi %div3A, %sub3A : i32
    %select_n3A = arith.select %and3A, %sub3A_18, %div3A : i32
    %mul3A_19 = arith.constant 128 : i32
    %mul3A_20 = arith.muli %select_n3A, %mul3A_19 : i32
    "tpu.region"() ({
      %run_scoped3A = tpu.sem_alloc : memref<!tpu.dma_semaphore, #tpu.memory_space<semaphore_mem>>
      %dma_start3A_126 = tpu.memref_slice %arg4[%mul3A_20] : memref<25600xf32, #tpu.memory_space<hbm>> -> memref<896xf32, #tpu.memory_space<hbm>>
      %dma_start3A_127 = tpu.memref_slice %arg4[%mul3A_20] : memref<25600xf32, #tpu.memory_space<hbm>> -> memref<896xf32, #tpu.memory_space<hbm>>
      tpu.enqueue_dma source(%dma_start3A_127 : memref<896xf32, #tpu.memory_space<hbm>>) target(%arg7 : memref<896xf32, #tpu.memory_space<vmem>>) target_semaphore(%run_scoped3A : memref<!tpu.dma_semaphore, #tpu.memory_space<semaphore_mem>>)
      %dma_wait3A_128 = tpu.memref_slice %arg4[%mul3A_20] : memref<25600xf32, #tpu.memory_space<hbm>> -> memref<896xf32, #tpu.memory_space<hbm>>
      %dma_wait3A_129 = tpu.memref_slice %arg4[%mul3A_20] : memref<25600xf32, #tpu.memory_space<hbm>> -> memref<896xf32, #tpu.memory_space<hbm>>
      tpu.wait_dma2 semaphore(%run_scoped3A : memref<!tpu.dma_semaphore, #tpu.memory_space<semaphore_mem>>) src(%dma_wait3A_129 : memref<896xf32, #tpu.memory_space<hbm>>) dst(%arg7 : memref<896xf32, #tpu.memory_space<vmem>>)
      tpu.yield
    }) : () -> ()
    %mul3A_21 = arith.constant 128 : i32
    %mul3A_22 = arith.muli %mul3A_2, %mul3A_21 : i32
    "tpu.region"() ({
      %run_scoped3A = tpu.sem_alloc : memref<!tpu.dma_semaphore, #tpu.memory_space<semaphore_mem>>
      %dma_start3A_126 = tpu.memref_slice %arg2[%mul3A_22] : memref<204800xi32, #tpu.memory_space<hbm>> -> memref<6400xi32, #tpu.memory_space<hbm>>
      %dma_start3A_127 = tpu.memref_slice %arg2[%mul3A_22] : memref<204800xi32, #tpu.memory_space<hbm>> -> memref<6400xi32, #tpu.memory_space<hbm>>
      tpu.enqueue_dma source(%dma_start3A_127 : memref<6400xi32, #tpu.memory_space<hbm>>) target(%arg6 : memref<6400xi32, #tpu.memory_space<vmem>>) target_semaphore(%run_scoped3A : memref<!tpu.dma_semaphore, #tpu.memory_space<semaphore_mem>>)
      %dma_wait3A_128 = tpu.memref_slice %arg2[%mul3A_22] : memref<204800xi32, #tpu.memory_space<hbm>> -> memref<6400xi32, #tpu.memory_space<hbm>>
      %dma_wait3A_129 = tpu.memref_slice %arg2[%mul3A_22] : memref<204800xi32, #tpu.memory_space<hbm>> -> memref<6400xi32, #tpu.memory_space<hbm>>
      tpu.wait_dma2 semaphore(%run_scoped3A : memref<!tpu.dma_semaphore, #tpu.memory_space<semaphore_mem>>) src(%dma_wait3A_129 : memref<6400xi32, #tpu.memory_space<hbm>>) dst(%arg6 : memref<6400xi32, #tpu.memory_space<vmem>>)
      tpu.yield
    }) : () -> ()
    %iota3A = tpu.iota {dimensions = array<i32: 0>} : vector<16xi32>
    %add3A_23 = arith.constant 0 : i32
    %add3A_24 = vector.broadcast %add3A_23 : i32 to vector<16xi32>
    %add3A_25 = arith.addi %iota3A, %add3A_24 : vector<16xi32>
    %mul3A_26 = arith.constant 200 : i32
    %mul3A_27 = vector.broadcast %mul3A_26 : i32 to vector<16xi32>
    %mul3A_28 = arith.muli %add3A_25, %mul3A_27 : vector<16xi32>
    %swap3A = arith.constant 0 : index
    %swap3A_29 = tpu.vector_load %arg8[%swap3A] {strides = array<i32>} : memref<128xi32, #tpu.memory_space<vmem>>, vector<16xi32>,
    %swap3A_30 = vector.shape_cast %swap3A_29 : vector<16xi32> to vector<16xi32>
    %swap3A_31 = vector.shape_cast %mul3A_28 : vector<16xi32> to vector<16xi32>
    tpu.vector_store %arg8[%swap3A], %swap3A_31 {strides = array<i32>} : memref<128xi32, #tpu.memory_space<vmem>>, vector<16xi32>,
    %add3A_32 = arith.constant 16 : i32
    %add3A_33 = vector.broadcast %add3A_32 : i32 to vector<16xi32>
    %add3A_34 = arith.addi %iota3A, %add3A_33 : vector<16xi32>
    %mul3A_35 = arith.constant 200 : i32
    %mul3A_36 = vector.broadcast %mul3A_35 : i32 to vector<16xi32>
    %mul3A_37 = arith.muli %add3A_34, %mul3A_36 : vector<16xi32>
    %swap3A_38 = arith.constant 16 : index
    %swap3A_39 = tpu.vector_load %arg8[%swap3A_38] {strides = array<i32>} : memref<128xi32, #tpu.memory_space<vmem>>, vector<16xi32>,
    %swap3A_40 = vector.shape_cast %swap3A_39 : vector<16xi32> to vector<16xi32>
    %swap3A_41 = vector.shape_cast %mul3A_37 : vector<16xi32> to vector<16xi32>
    tpu.vector_store %arg8[%swap3A_38], %swap3A_41 {strides = array<i32>} : memref<128xi32, #tpu.memory_space<vmem>>, vector<16xi32>,
    %add3A_42 = arith.constant 32 : i32
    %add3A_43 = vector.broadcast %add3A_42 : i32 to vector<16xi32>
    %add3A_44 = arith.addi %iota3A, %add3A_43 : vector<16xi32>
    %mul3A_45 = arith.constant 200 : i32
    %mul3A_46 = vector.broadcast %mul3A_45 : i32 to vector<16xi32>
    %mul3A_47 = arith.muli %add3A_44, %mul3A_46 : vector<16xi32>
    %swap3A_48 = arith.constant 32 : index
    %swap3A_49 = tpu.vector_load %arg8[%swap3A_48] {strides = array<i32>} : memref<128xi32, #tpu.memory_space<vmem>>, vector<16xi32>,
    %swap3A_50 = vector.shape_cast %swap3A_49 : vector<16xi32> to vector<16xi32>
    %swap3A_51 = vector.shape_cast %mul3A_47 : vector<16xi32> to vector<16xi32>
    tpu.vector_store %arg8[%swap3A_48], %swap3A_51 {strides = array<i32>} : memref<128xi32, #tpu.memory_space<vmem>>, vector<16xi32>,
    %add3A_52 = arith.constant 48 : i32
    %add3A_53 = vector.broadcast %add3A_52 : i32 to vector<16xi32>
    %add3A_54 = arith.addi %iota3A, %add3A_53 : vector<16xi32>
    %mul3A_55 = arith.constant 200 : i32
    %mul3A_56 = vector.broadcast %mul3A_55 : i32 to vector<16xi32>
    %mul3A_57 = arith.muli %add3A_54, %mul3A_56 : vector<16xi32>
    %swap3A_58 = arith.constant 48 : index
    %swap3A_59 = tpu.vector_load %arg8[%swap3A_58] {strides = array<i32>} : memref<128xi32, #tpu.memory_space<vmem>>, vector<16xi32>,
    %swap3A_60 = vector.shape_cast %swap3A_59 : vector<16xi32> to vector<16xi32>
    %swap3A_61 = vector.shape_cast %mul3A_57 : vector<16xi32> to vector<16xi32>
    tpu.vector_store %arg8[%swap3A_58], %swap3A_61 {strides = array<i32>} : memref<128xi32, #tpu.memory_space<vmem>>, vector<16xi32>,
    %add3A_62 = arith.constant 64 : i32
    %add3A_63 = vector.broadcast %add3A_62 : i32 to vector<16xi32>
    %add3A_64 = arith.addi %iota3A, %add3A_63 : vector<16xi32>
    %mul3A_65 = arith.constant 200 : i32
    %mul3A_66 = vector.broadcast %mul3A_65 : i32 to vector<16xi32>
    %mul3A_67 = arith.muli %add3A_64, %mul3A_66 : vector<16xi32>
    %swap3A_68 = arith.constant 64 : index
    %swap3A_69 = tpu.vector_load %arg8[%swap3A_68] {strides = array<i32>} : memref<128xi32, #tpu.memory_space<vmem>>, vector<16xi32>,
    %swap3A_70 = vector.shape_cast %swap3A_69 : vector<16xi32> to vector<16xi32>
    %swap3A_71 = vector.shape_cast %mul3A_67 : vector<16xi32> to vector<16xi32>
    tpu.vector_store %arg8[%swap3A_68], %swap3A_71 {strides = array<i32>} : memref<128xi32, #tpu.memory_space<vmem>>, vector<16xi32>,
    %add3A_72 = arith.constant 80 : i32
    %add3A_73 = vector.broadcast %add3A_72 : i32 to vector<16xi32>
    %add3A_74 = arith.addi %iota3A, %add3A_73 : vector<16xi32>
    %mul3A_75 = arith.constant 200 : i32
    %mul3A_76 = vector.broadcast %mul3A_75 : i32 to vector<16xi32>
    %mul3A_77 = arith.muli %add3A_74, %mul3A_76 : vector<16xi32>
    %swap3A_78 = arith.constant 80 : index
    %swap3A_79 = tpu.vector_load %arg8[%swap3A_78] {strides = array<i32>} : memref<128xi32, #tpu.memory_space<vmem>>, vector<16xi32>,
    %swap3A_80 = vector.shape_cast %swap3A_79 : vector<16xi32> to vector<16xi32>
    %swap3A_81 = vector.shape_cast %mul3A_77 : vector<16xi32> to vector<16xi32>
    tpu.vector_store %arg8[%swap3A_78], %swap3A_81 {strides = array<i32>} : memref<128xi32, #tpu.memory_space<vmem>>, vector<16xi32>,
    %add3A_82 = arith.constant 96 : i32
    %add3A_83 = vector.broadcast %add3A_82 : i32 to vector<16xi32>
    %add3A_84 = arith.addi %iota3A, %add3A_83 : vector<16xi32>
    %mul3A_85 = arith.constant 200 : i32
    %mul3A_86 = vector.broadcast %mul3A_85 : i32 to vector<16xi32>
    %mul3A_87 = arith.muli %add3A_84, %mul3A_86 : vector<16xi32>
    %swap3A_88 = arith.constant 96 : index
    %swap3A_89 = tpu.vector_load %arg8[%swap3A_88] {strides = array<i32>} : memref<128xi32, #tpu.memory_space<vmem>>, vector<16xi32>,
    %swap3A_90 = vector.shape_cast %swap3A_89 : vector<16xi32> to vector<16xi32>
    %swap3A_91 = vector.shape_cast %mul3A_87 : vector<16xi32> to vector<16xi32>
    tpu.vector_store %arg8[%swap3A_88], %swap3A_91 {strides = array<i32>} : memref<128xi32, #tpu.memory_space<vmem>>, vector<16xi32>,
    %add3A_92 = arith.constant 112 : i32
    %add3A_93 = vector.broadcast %add3A_92 : i32 to vector<16xi32>
    %add3A_94 = arith.addi %iota3A, %add3A_93 : vector<16xi32>
    %mul3A_95 = arith.constant 200 : i32
    %mul3A_96 = vector.broadcast %mul3A_95 : i32 to vector<16xi32>
    %mul3A_97 = arith.muli %add3A_94, %mul3A_96 : vector<16xi32>
    %swap3A_98 = arith.constant 112 : index
    %swap3A_99 = tpu.vector_load %arg8[%swap3A_98] {strides = array<i32>} : memref<128xi32, #tpu.memory_space<vmem>>, vector<16xi32>,
    %swap3A_100 = vector.shape_cast %swap3A_99 : vector<16xi32> to vector<16xi32>
    %swap3A_101 = vector.shape_cast %mul3A_97 : vector<16xi32> to vector<16xi32>
    tpu.vector_store %arg8[%swap3A_98], %swap3A_101 {strides = array<i32>} : memref<128xi32, #tpu.memory_space<vmem>>, vector<16xi32>,
    %dma_start3A = arith.constant 0 : i32
    %dma_start3A_102 = tpu.memref_slice %arg6[%dma_start3A] : memref<6400xi32, #tpu.memory_space<vmem>> -> memref<128xi32, #tpu.memory_space<vmem>>
    %dma_start3A_103 = arith.constant 0 : i32
    %dma_start3A_104 = arith.constant 0 : i32
    %dma_start3A_105 = tpu.memref_slice %arg3[%dma_start3A_103, %dma_start3A_104] : memref<100000x128xf32, #tpu.memory_space<hbm>> -> memref<100000x128xf32, #tpu.memory_space<hbm>>
    tpu.enqueue_indirect_dma source(%dma_start3A_105 : memref<100000x128xf32, #tpu.memory_space<hbm>>) target(%arg9 : memref<128x128xf32, #tpu.memory_space<vmem>>) offsets(%dma_start3A_102 : memref<128xi32, #tpu.memory_space<vmem>>) semaphore(%arg19 : memref<!tpu.dma_semaphore, #tpu.memory_space<semaphore_mem>>)
    %dma_start3A_106 = arith.constant 128 : i32
    %dma_start3A_107 = tpu.memref_slice %arg6[%dma_start3A_106] : memref<6400xi32, #tpu.memory_space<vmem>> -> memref<128xi32, #tpu.memory_space<vmem>>
    %dma_start3A_108 = arith.constant 0 : i32
    %dma_start3A_109 = arith.constant 0 : i32
    %dma_start3A_110 = tpu.memref_slice %arg3[%dma_start3A_108, %dma_start3A_109] : memref<100000x128xf32, #tpu.memory_space<hbm>> -> memref<100000x128xf32, #tpu.memory_space<hbm>>
    tpu.enqueue_indirect_dma source(%dma_start3A_110 : memref<100000x128xf32, #tpu.memory_space<hbm>>) target(%arg10 : memref<128x128xf32, #tpu.memory_space<vmem>>) offsets(%dma_start3A_107 : memref<128xi32, #tpu.memory_space<vmem>>) semaphore(%arg20 : memref<!tpu.dma_semaphore, #tpu.memory_space<semaphore_mem>>)
    %dma_start3A_111 = arith.constant 256 : i32
    %dma_start3A_112 = tpu.memref_slice %arg6[%dma_start3A_111] : memref<6400xi32, #tpu.memory_space<vmem>> -> memref<128xi32, #tpu.memory_space<vmem>>
    %dma_start3A_113 = arith.constant 0 : i32
    %dma_start3A_114 = arith.constant 0 : i32
    %dma_start3A_115 = tpu.memref_slice %arg3[%dma_start3A_113, %dma_start3A_114] : memref<100000x128xf32, #tpu.memory_space<hbm>> -> memref<100000x128xf32, #tpu.memory_space<hbm>>
    tpu.enqueue_indirect_dma source(%dma_start3A_115 : memref<100000x128xf32, #tpu.memory_space<hbm>>) target(%arg11 : memref<128x128xf32, #tpu.memory_space<vmem>>) offsets(%dma_start3A_112 : memref<128xi32, #tpu.memory_space<vmem>>) semaphore(%arg21 : memref<!tpu.dma_semaphore, #tpu.memory_space<semaphore_mem>>)
    %scan3A = arith.constant 0 : i32
    %scan3A_116 = arith.constant 0 : i32
    %scan3A_117 = arith.constant 10 : i32
    %scan3A_118 = arith.addi %scan3A_116, %scan3A_117 : i32
    %scan3A_119 = arith.constant 1 : i32
    scf.for %scan3A_126 = %scan3A_116 to %scan3A_118 step %scan3A_119  : i32 {
      %mul3A_127 = arith.constant 5 : i32
      %mul3A_128 = arith.muli %mul3A_127, %scan3A_126 : i32
      %add3A_129 = arith.constant 0 : i32
      %add3A_130 = arith.addi %mul3A_128, %add3A_129 : i32
      %add3A_131 = arith.constant 3 : i32
      %add3A_132 = arith.addi %add3A_130, %add3A_131 : i32
      %sub3A_133 = arith.constant 5 : i32
      %sub3A_134 = arith.subi %add3A_132, %sub3A_133 : i32
      %ge3A = arith.constant 0 : i32
      %ge3A_135 = arith.cmpi sge, %sub3A_134, %ge3A : i32
      %convert_element_type3A = arith.extui %ge3A_135 : i1 to i32
      %cond3A = arith.constant 0 : i32
      %cond3A_136 = arith.cmpi ne, %convert_element_type3A, %cond3A : i32
      scf.if %cond3A_136 {
        %add3A_1101 = arith.constant 3 : i32
        %add3A_1102 = arith.addi %add3A_130, %add3A_1101 : i32
        %sub3A_1103 = arith.constant 5 : i32
        %sub3A_1104 = arith.subi %add3A_1102, %sub3A_1103 : i32
        %dma_wait3A_1105 = arith.constant 0 : i32
        %dma_wait3A_1106 = arith.constant 0 : i32
        %dma_wait3A_1107 = tpu.memref_slice %arg5[%dma_wait3A_1105, %dma_wait3A_1106] : memref<204800x128xf32, #tpu.memory_space<hbm>> -> memref<204800x128xf32, #tpu.memory_space<hbm>>
        tpu.wait_indirect_dma semaphore(%arg27 : memref<!tpu.dma_semaphore, #tpu.memory_space<semaphore_mem>>) src(%arg12 : memref<128x128xf32, #tpu.memory_space<vmem>>) dst(%dma_wait3A_1107 : memref<204800x128xf32, #tpu.memory_space<hbm>>)
      } else {
      }
      %add3A_137 = arith.constant 3 : i32
      %add3A_138 = arith.addi %add3A_130, %add3A_137 : i32
      %lt3A = arith.constant 50 : i32
      %lt3A_139 = arith.cmpi slt, %add3A_138, %lt3A : i32
      %convert_element_type3A_140 = arith.extui %lt3A_139 : i1 to i32
      %cond3A_141 = arith.constant 0 : i32
      %cond3A_142 = arith.cmpi ne, %convert_element_type3A_140, %cond3A_141 : i32
      scf.if %cond3A_142 {
        %add3A_1101 = arith.constant 3 : i32
        %add3A_1102 = arith.addi %add3A_130, %add3A_1101 : i32
        %mul3A_1103 = arith.constant 128 : i32
        %mul3A_1104 = arith.muli %add3A_1102, %mul3A_1103 : i32
        %dma_start3A_1105 = tpu.memref_slice %arg6[%mul3A_1104] : memref<6400xi32, #tpu.memory_space<vmem>> -> memref<128xi32, #tpu.memory_space<vmem>>
        %dma_start3A_1106 = arith.constant 0 : i32
        %dma_start3A_1107 = arith.constant 0 : i32
        %dma_start3A_1108 = tpu.memref_slice %arg3[%dma_start3A_1106, %dma_start3A_1107] : memref<100000x128xf32, #tpu.memory_space<hbm>> -> memref<100000x128xf32, #tpu.memory_space<hbm>>
        tpu.enqueue_indirect_dma source(%dma_start3A_1108 : memref<100000x128xf32, #tpu.memory_space<hbm>>) target(%arg12 : memref<128x128xf32, #tpu.memory_space<vmem>>) offsets(%dma_start3A_1105 : memref<128xi32, #tpu.memory_space<vmem>>) semaphore(%arg22 : memref<!tpu.dma_semaphore, #tpu.memory_space<semaphore_mem>>)
      } else {
      }
      %mul3A_143 = arith.constant 128 : i32
      %mul3A_144 = arith.muli %add3A_130, %mul3A_143 : i32
      %dma_wait3A_145 = tpu.memref_slice %arg6[%mul3A_144] : memref<6400xi32, #tpu.memory_space<vmem>> -> memref<128xi32, #tpu.memory_space<vmem>>
      %dma_wait3A_146 = arith.constant 0 : i32
      %dma_wait3A_147 = arith.constant 0 : i32
      %dma_wait3A_148 = tpu.memref_slice %arg3[%dma_wait3A_146, %dma_wait3A_147] : memref<100000x128xf32, #tpu.memory_space<hbm>> -> memref<100000x128xf32, #tpu.memory_space<hbm>>
      tpu.wait_indirect_dma semaphore(%arg19 : memref<!tpu.dma_semaphore, #tpu.memory_space<semaphore_mem>>) src(%dma_wait3A_148 : memref<100000x128xf32, #tpu.memory_space<hbm>>) dst(%arg9 : memref<128x128xf32, #tpu.memory_space<vmem>>)
      %add3A_149 = arith.addi %mul3A_2, %add3A_130 : i32
      %jit3A_150 = arith.constant 8 : i32
      %div3A_151 = arith.divsi %add3A_149, %jit3A_150 : i32
      %sign3A_152 = arith.constant 0 : i32
      %sign3A_153 = arith.cmpi sgt, %add3A_149, %sign3A_152 : i32
      %sign3A_154 = arith.extui %sign3A_153 : i1 to i32
      %sign3A_155 = arith.constant 0 : i32
      %sign3A_156 = arith.cmpi slt, %add3A_149, %sign3A_155 : i32
      %sign3A_157 = arith.extui %sign3A_156 : i1 to i32
      %sign3A_158 = arith.subi %sign3A_154, %sign3A_157 : i32
      %sign3A_159 = arith.constant 0 : i32
      %sign3A_160 = arith.cmpi sgt, %jit3A_150, %sign3A_159 : i32
      %sign3A_161 = arith.extui %sign3A_160 : i1 to i32
      %sign3A_162 = arith.constant 0 : i32
      %sign3A_163 = arith.cmpi slt, %jit3A_150, %sign3A_162 : i32
      %sign3A_164 = arith.extui %sign3A_163 : i1 to i32
      %sign3A_165 = arith.subi %sign3A_161, %sign3A_164 : i32
      %ne3A_166 = arith.cmpi ne, %sign3A_158, %sign3A_165 : i32
      %rem3A_167 = arith.remsi %add3A_149, %jit3A_150 : i32
      %ne3A_168 = arith.constant 0 : i32
      %ne3A_169 = arith.cmpi ne, %rem3A_167, %ne3A_168 : i32
      %and3A_170 = arith.andi %ne3A_166, %ne3A_169 : i1
      %sub3A_171 = arith.constant 1 : i32
      %sub3A_172 = arith.subi %div3A_151, %sub3A_171 : i32
      %select_n3A_173 = arith.select %and3A_170, %sub3A_172, %div3A_151 : i32
      %jit3A_174 = arith.constant 8 : i32
      %eq3A = arith.constant 0 : i32
      %eq3A_175 = arith.cmpi eq, %jit3A_174, %eq3A : i32
      %jit3A_176 = arith.constant 1 : i32
      %select_n3A_177 = arith.select %eq3A_175, %jit3A_176, %jit3A_174 : i32
      %rem3A_178 = arith.remsi %add3A_149, %select_n3A_177 : i32
      %ne3A_179 = arith.constant 0 : i32
      %ne3A_180 = arith.cmpi ne, %rem3A_178, %ne3A_179 : i32
      %lt3A_181 = arith.constant 0 : i32
      %lt3A_182 = arith.cmpi slt, %rem3A_178, %lt3A_181 : i32
      %lt3A_183 = arith.constant 0 : i32
      %lt3A_184 = arith.cmpi slt, %select_n3A_177, %lt3A_183 : i32
      %ne3A_185 = arith.xori %lt3A_182, %lt3A_184 : i1
      %and3A_186 = arith.andi %ne3A_185, %ne3A_180 : i1
      %add3A_187 = arith.addi %rem3A_178, %select_n3A_177 : i32
      %select_n3A_188 = arith.select %and3A_186, %add3A_187, %rem3A_178 : i32
      %mul3A_189 = arith.constant 128 : i32
      %mul3A_190 = arith.muli %select_n3A_188, %mul3A_189 : i32
      %mul3A_191 = arith.constant 200 : i32
      %mul3A_192 = arith.muli %mul3A_190, %mul3A_191 : i32
      %add3A_193 = arith.addi %mul3A_192, %select_n3A_173 : i32
      %get3A = arith.constant 0 : index
      %get3A_194 = tpu.vector_load %arg8[%get3A] {strides = array<i32>} : memref<128xi32, #tpu.memory_space<vmem>>, vector<16xi32>,
      %get3A_195 = vector.shape_cast %get3A_194 : vector<16xi32> to vector<16xi32>
      %add3A_196 = vector.broadcast %add3A_193 : i32 to vector<16xi32>
      %add3A_197 = arith.addi %get3A_195, %add3A_196 : vector<16xi32>
      %swap3A_198 = arith.constant 0 : index
      %swap3A_199 = tpu.vector_load %arg14[%swap3A_198] {strides = array<i32>} : memref<128xi32, #tpu.memory_space<vmem>>, vector<16xi32>,
      %swap3A_200 = vector.shape_cast %swap3A_199 : vector<16xi32> to vector<16xi32>
      %swap3A_201 = vector.shape_cast %add3A_197 : vector<16xi32> to vector<16xi32>
      tpu.vector_store %arg14[%swap3A_198], %swap3A_201 {strides = array<i32>} : memref<128xi32, #tpu.memory_space<vmem>>, vector<16xi32>,
      %get3A_202 = arith.constant 16 : index
      %get3A_203 = tpu.vector_load %arg8[%get3A_202] {strides = array<i32>} : memref<128xi32, #tpu.memory_space<vmem>>, vector<16xi32>,
      %get3A_204 = vector.shape_cast %get3A_203 : vector<16xi32> to vector<16xi32>
      %add3A_205 = vector.broadcast %add3A_193 : i32 to vector<16xi32>
      %add3A_206 = arith.addi %get3A_204, %add3A_205 : vector<16xi32>
      %swap3A_207 = arith.constant 16 : index
      %swap3A_208 = tpu.vector_load %arg14[%swap3A_207] {strides = array<i32>} : memref<128xi32, #tpu.memory_space<vmem>>, vector<16xi32>,
      %swap3A_209 = vector.shape_cast %swap3A_208 : vector<16xi32> to vector<16xi32>
      %swap3A_210 = vector.shape_cast %add3A_206 : vector<16xi32> to vector<16xi32>
      tpu.vector_store %arg14[%swap3A_207], %swap3A_210 {strides = array<i32>} : memref<128xi32, #tpu.memory_space<vmem>>, vector<16xi32>,
      %get3A_211 = arith.constant 32 : index
      %get3A_212 = tpu.vector_load %arg8[%get3A_211] {strides = array<i32>} : memref<128xi32, #tpu.memory_space<vmem>>, vector<16xi32>,
      %get3A_213 = vector.shape_cast %get3A_212 : vector<16xi32> to vector<16xi32>
      %add3A_214 = vector.broadcast %add3A_193 : i32 to vector<16xi32>
      %add3A_215 = arith.addi %get3A_213, %add3A_214 : vector<16xi32>
      %swap3A_216 = arith.constant 32 : index
      %swap3A_217 = tpu.vector_load %arg14[%swap3A_216] {strides = array<i32>} : memref<128xi32, #tpu.memory_space<vmem>>, vector<16xi32>,
      %swap3A_218 = vector.shape_cast %swap3A_217 : vector<16xi32> to vector<16xi32>
      %swap3A_219 = vector.shape_cast %add3A_215 : vector<16xi32> to vector<16xi32>
      tpu.vector_store %arg14[%swap3A_216], %swap3A_219 {strides = array<i32>} : memref<128xi32, #tpu.memory_space<vmem>>, vector<16xi32>,
      %get3A_220 = arith.constant 48 : index
      %get3A_221 = tpu.vector_load %arg8[%get3A_220] {strides = array<i32>} : memref<128xi32, #tpu.memory_space<vmem>>, vector<16xi32>,
      %get3A_222 = vector.shape_cast %get3A_221 : vector<16xi32> to vector<16xi32>
      %add3A_223 = vector.broadcast %add3A_193 : i32 to vector<16xi32>
      %add3A_224 = arith.addi %get3A_222, %add3A_223 : vector<16xi32>
      %swap3A_225 = arith.constant 48 : index
      %swap3A_226 = tpu.vector_load %arg14[%swap3A_225] {strides = array<i32>} : memref<128xi32, #tpu.memory_space<vmem>>, vector<16xi32>,
      %swap3A_227 = vector.shape_cast %swap3A_226 : vector<16xi32> to vector<16xi32>
      %swap3A_228 = vector.shape_cast %add3A_224 : vector<16xi32> to vector<16xi32>
      tpu.vector_store %arg14[%swap3A_225], %swap3A_228 {strides = array<i32>} : memref<128xi32, #tpu.memory_space<vmem>>, vector<16xi32>,
      %get3A_229 = arith.constant 64 : index
      %get3A_230 = tpu.vector_load %arg8[%get3A_229] {strides = array<i32>} : memref<128xi32, #tpu.memory_space<vmem>>, vector<16xi32>,
      %get3A_231 = vector.shape_cast %get3A_230 : vector<16xi32> to vector<16xi32>
      %add3A_232 = vector.broadcast %add3A_193 : i32 to vector<16xi32>
      %add3A_233 = arith.addi %get3A_231, %add3A_232 : vector<16xi32>
      %swap3A_234 = arith.constant 64 : index
      %swap3A_235 = tpu.vector_load %arg14[%swap3A_234] {strides = array<i32>} : memref<128xi32, #tpu.memory_space<vmem>>, vector<16xi32>,
      %swap3A_236 = vector.shape_cast %swap3A_235 : vector<16xi32> to vector<16xi32>
      %swap3A_237 = vector.shape_cast %add3A_233 : vector<16xi32> to vector<16xi32>
      tpu.vector_store %arg14[%swap3A_234], %swap3A_237 {strides = array<i32>} : memref<128xi32, #tpu.memory_space<vmem>>, vector<16xi32>,
      %get3A_238 = arith.constant 80 : index
      %get3A_239 = tpu.vector_load %arg8[%get3A_238] {strides = array<i32>} : memref<128xi32, #tpu.memory_space<vmem>>, vector<16xi32>,
      %get3A_240 = vector.shape_cast %get3A_239 : vector<16xi32> to vector<16xi32>
      %add3A_241 = vector.broadcast %add3A_193 : i32 to vector<16xi32>
      %add3A_242 = arith.addi %get3A_240, %add3A_241 : vector<16xi32>
      %swap3A_243 = arith.constant 80 : index
      %swap3A_244 = tpu.vector_load %arg14[%swap3A_243] {strides = array<i32>} : memref<128xi32, #tpu.memory_space<vmem>>, vector<16xi32>,
      %swap3A_245 = vector.shape_cast %swap3A_244 : vector<16xi32> to vector<16xi32>
      %swap3A_246 = vector.shape_cast %add3A_242 : vector<16xi32> to vector<16xi32>
      tpu.vector_store %arg14[%swap3A_243], %swap3A_246 {strides = array<i32>} : memref<128xi32, #tpu.memory_space<vmem>>, vector<16xi32>,
      %get3A_247 = arith.constant 96 : index
      %get3A_248 = tpu.vector_load %arg8[%get3A_247] {strides = array<i32>} : memref<128xi32, #tpu.memory_space<vmem>>, vector<16xi32>,
      %get3A_249 = vector.shape_cast %get3A_248 : vector<16xi32> to vector<16xi32>
      %add3A_250 = vector.broadcast %add3A_193 : i32 to vector<16xi32>
      %add3A_251 = arith.addi %get3A_249, %add3A_250 : vector<16xi32>
      %swap3A_252 = arith.constant 96 : index
      %swap3A_253 = tpu.vector_load %arg14[%swap3A_252] {strides = array<i32>} : memref<128xi32, #tpu.memory_space<vmem>>, vector<16xi32>,
      %swap3A_254 = vector.shape_cast %swap3A_253 : vector<16xi32> to vector<16xi32>
      %swap3A_255 = vector.shape_cast %add3A_251 : vector<16xi32> to vector<16xi32>
      tpu.vector_store %arg14[%swap3A_252], %swap3A_255 {strides = array<i32>} : memref<128xi32, #tpu.memory_space<vmem>>, vector<16xi32>,
      %get3A_256 = arith.constant 112 : index
      %get3A_257 = tpu.vector_load %arg8[%get3A_256] {strides = array<i32>} : memref<128xi32, #tpu.memory_space<vmem>>, vector<16xi32>,
      %get3A_258 = vector.shape_cast %get3A_257 : vector<16xi32> to vector<16xi32>
      %add3A_259 = vector.broadcast %add3A_193 : i32 to vector<16xi32>
      %add3A_260 = arith.addi %get3A_258, %add3A_259 : vector<16xi32>
      %swap3A_261 = arith.constant 112 : index
      %swap3A_262 = tpu.vector_load %arg14[%swap3A_261] {strides = array<i32>} : memref<128xi32, #tpu.memory_space<vmem>>, vector<16xi32>,
      %swap3A_263 = vector.shape_cast %swap3A_262 : vector<16xi32> to vector<16xi32>
      %swap3A_264 = vector.shape_cast %add3A_260 : vector<16xi32> to vector<16xi32>
      tpu.vector_store %arg14[%swap3A_261], %swap3A_264 {strides = array<i32>} : memref<128xi32, #tpu.memory_space<vmem>>, vector<16xi32>,
      %sub3A_265 = arith.subi %select_n3A_173, %select_n3A : i32
      %mul3A_266 = arith.constant 128 : i32
      %mul3A_267 = arith.muli %sub3A_265, %mul3A_266 : i32
      %add3A_268 = arith.constant 0 : i32
      %add3A_269 = arith.addi %mul3A_267, %add3A_268 : i32
      %get3A_270 = arith.index_cast %add3A_269 : i32 to index
      %get3A_271 = tpu.vector_load %arg7[%get3A_270] {strides = array<i32>} : memref<896xf32, #tpu.memory_space<vmem>>, vector<16xf32>,
      %get3A_272 = vector.shape_cast %get3A_271 : vector<16xf32> to vector<16xf32>
      %add3A_273 = arith.constant 16 : i32
      %add3A_274 = arith.addi %mul3A_267, %add3A_273 : i32
      %get3A_275 = arith.index_cast %add3A_274 : i32 to index
      %get3A_276 = tpu.vector_load %arg7[%get3A_275] {strides = array<i32>} : memref<896xf32, #tpu.memory_space<vmem>>, vector<16xf32>,
      %get3A_277 = vector.shape_cast %get3A_276 : vector<16xf32> to vector<16xf32>
      %add3A_278 = arith.constant 32 : i32
      %add3A_279 = arith.addi %mul3A_267, %add3A_278 : i32
      %get3A_280 = arith.index_cast %add3A_279 : i32 to index
      %get3A_281 = tpu.vector_load %arg7[%get3A_280] {strides = array<i32>} : memref<896xf32, #tpu.memory_space<vmem>>, vector<16xf32>,
      %get3A_282 = vector.shape_cast %get3A_281 : vector<16xf32> to vector<16xf32>
      %add3A_283 = arith.constant 48 : i32
      %add3A_284 = arith.addi %mul3A_267, %add3A_283 : i32
      %get3A_285 = arith.index_cast %add3A_284 : i32 to index
      %get3A_286 = tpu.vector_load %arg7[%get3A_285] {strides = array<i32>} : memref<896xf32, #tpu.memory_space<vmem>>, vector<16xf32>,
      %get3A_287 = vector.shape_cast %get3A_286 : vector<16xf32> to vector<16xf32>
      %add3A_288 = arith.constant 64 : i32
      %add3A_289 = arith.addi %mul3A_267, %add3A_288 : i32
      %get3A_290 = arith.index_cast %add3A_289 : i32 to index
      %get3A_291 = tpu.vector_load %arg7[%get3A_290] {strides = array<i32>} : memref<896xf32, #tpu.memory_space<vmem>>, vector<16xf32>,
      %get3A_292 = vector.shape_cast %get3A_291 : vector<16xf32> to vector<16xf32>
      %add3A_293 = arith.constant 80 : i32
      %add3A_294 = arith.addi %mul3A_267, %add3A_293 : i32
      %get3A_295 = arith.index_cast %add3A_294 : i32 to index
      %get3A_296 = tpu.vector_load %arg7[%get3A_295] {strides = array<i32>} : memref<896xf32, #tpu.memory_space<vmem>>, vector<16xf32>,
      %get3A_297 = vector.shape_cast %get3A_296 : vector<16xf32> to vector<16xf32>
      %add3A_298 = arith.constant 96 : i32
      %add3A_299 = arith.addi %mul3A_267, %add3A_298 : i32
      %get3A_300 = arith.index_cast %add3A_299 : i32 to index
      %get3A_301 = tpu.vector_load %arg7[%get3A_300] {strides = array<i32>} : memref<896xf32, #tpu.memory_space<vmem>>, vector<16xf32>,
      %get3A_302 = vector.shape_cast %get3A_301 : vector<16xf32> to vector<16xf32>
      %add3A_303 = arith.constant 112 : i32
      %add3A_304 = arith.addi %mul3A_267, %add3A_303 : i32
      %get3A_305 = arith.index_cast %add3A_304 : i32 to index
      %get3A_306 = tpu.vector_load %arg7[%get3A_305] {strides = array<i32>} : memref<896xf32, #tpu.memory_space<vmem>>, vector<16xf32>,
      %get3A_307 = vector.shape_cast %get3A_306 : vector<16xf32> to vector<16xf32>
      %scan3A_308 = arith.constant 0 : i32
      %scan3A_309 = arith.constant 0 : i32
      %scan3A_310 = arith.constant 128 : i32
      %scan3A_311 = arith.addi %scan3A_309, %scan3A_310 : i32
      %scan3A_312 = arith.constant 1 : i32
      scf.for %scan3A_1101 = %scan3A_309 to %scan3A_311 step %scan3A_312  : i32 {
        %swap3A_1102 = arith.index_cast %scan3A_1101 : i32 to index
        %swap3A_1103 = arith.constant 0 : index
        %swap3A_1104 = tpu.vector_load %arg9[%swap3A_1102, %swap3A_1103] {strides = array<i32>} : memref<128x128xf32, #tpu.memory_space<vmem>>, vector<1x16xf32>,
        %swap3A_1105 = vector.shape_cast %swap3A_1104 : vector<1x16xf32> to vector<16xf32>
        %swap3A_1106 = vector.shape_cast %get3A_272 : vector<16xf32> to vector<1x16xf32>
        tpu.vector_store %arg9[%swap3A_1102, %swap3A_1103], %swap3A_1106 {add = true, strides = array<i32>} : memref<128x128xf32, #tpu.memory_space<vmem>>, vector<1x16xf32>,
        %swap3A_1107 = arith.index_cast %scan3A_1101 : i32 to index
        %swap3A_1108 = arith.constant 16 : index
        %swap3A_1109 = tpu.vector_load %arg9[%swap3A_1107, %swap3A_1108] {strides = array<i32>} : memref<128x128xf32, #tpu.memory_space<vmem>>, vector<1x16xf32>,
        %swap3A_1110 = vector.shape_cast %swap3A_1109 : vector<1x16xf32> to vector<16xf32>
        %swap3A_1111 = vector.shape_cast %get3A_277 : vector<16xf32> to vector<1x16xf32>
        tpu.vector_store %arg9[%swap3A_1107, %swap3A_1108], %swap3A_1111 {add = true, strides = array<i32>} : memref<128x128xf32, #tpu.memory_space<vmem>>, vector<1x16xf32>,
        %swap3A_1112 = arith.index_cast %scan3A_1101 : i32 to index
        %swap3A_1113 = arith.constant 32 : index
        %swap3A_1114 = tpu.vector_load %arg9[%swap3A_1112, %swap3A_1113] {strides = array<i32>} : memref<128x128xf32, #tpu.memory_space<vmem>>, vector<1x16xf32>,
        %swap3A_1115 = vector.shape_cast %swap3A_1114 : vector<1x16xf32> to vector<16xf32>
        %swap3A_1116 = vector.shape_cast %get3A_282 : vector<16xf32> to vector<1x16xf32>
        tpu.vector_store %arg9[%swap3A_1112, %swap3A_1113], %swap3A_1116 {add = true, strides = array<i32>} : memref<128x128xf32, #tpu.memory_space<vmem>>, vector<1x16xf32>,
        %swap3A_1117 = arith.index_cast %scan3A_1101 : i32 to index
        %swap3A_1118 = arith.constant 48 : index
        %swap3A_1119 = tpu.vector_load %arg9[%swap3A_1117, %swap3A_1118] {strides = array<i32>} : memref<128x128xf32, #tpu.memory_space<vmem>>, vector<1x16xf32>,
        %swap3A_1120 = vector.shape_cast %swap3A_1119 : vector<1x16xf32> to vector<16xf32>
        %swap3A_1121 = vector.shape_cast %get3A_287 : vector<16xf32> to vector<1x16xf32>
        tpu.vector_store %arg9[%swap3A_1117, %swap3A_1118], %swap3A_1121 {add = true, strides = array<i32>} : memref<128x128xf32, #tpu.memory_space<vmem>>, vector<1x16xf32>,
        %swap3A_1122 = arith.index_cast %scan3A_1101 : i32 to index
        %swap3A_1123 = arith.constant 64 : index
        %swap3A_1124 = tpu.vector_load %arg9[%swap3A_1122, %swap3A_1123] {strides = array<i32>} : memref<128x128xf32, #tpu.memory_space<vmem>>, vector<1x16xf32>,
        %swap3A_1125 = vector.shape_cast %swap3A_1124 : vector<1x16xf32> to vector<16xf32>
        %swap3A_1126 = vector.shape_cast %get3A_292 : vector<16xf32> to vector<1x16xf32>
        tpu.vector_store %arg9[%swap3A_1122, %swap3A_1123], %swap3A_1126 {add = true, strides = array<i32>} : memref<128x128xf32, #tpu.memory_space<vmem>>, vector<1x16xf32>,
        %swap3A_1127 = arith.index_cast %scan3A_1101 : i32 to index
        %swap3A_1128 = arith.constant 80 : index
        %swap3A_1129 = tpu.vector_load %arg9[%swap3A_1127, %swap3A_1128] {strides = array<i32>} : memref<128x128xf32, #tpu.memory_space<vmem>>, vector<1x16xf32>,
        %swap3A_1130 = vector.shape_cast %swap3A_1129 : vector<1x16xf32> to vector<16xf32>
        %swap3A_1131 = vector.shape_cast %get3A_297 : vector<16xf32> to vector<1x16xf32>
        tpu.vector_store %arg9[%swap3A_1127, %swap3A_1128], %swap3A_1131 {add = true, strides = array<i32>} : memref<128x128xf32, #tpu.memory_space<vmem>>, vector<1x16xf32>,
        %swap3A_1132 = arith.index_cast %scan3A_1101 : i32 to index
        %swap3A_1133 = arith.constant 96 : index
        %swap3A_1134 = tpu.vector_load %arg9[%swap3A_1132, %swap3A_1133] {strides = array<i32>} : memref<128x128xf32, #tpu.memory_space<vmem>>, vector<1x16xf32>,
        %swap3A_1135 = vector.shape_cast %swap3A_1134 : vector<1x16xf32> to vector<16xf32>
        %swap3A_1136 = vector.shape_cast %get3A_302 : vector<16xf32> to vector<1x16xf32>
        tpu.vector_store %arg9[%swap3A_1132, %swap3A_1133], %swap3A_1136 {add = true, strides = array<i32>} : memref<128x128xf32, #tpu.memory_space<vmem>>, vector<1x16xf32>,
        %swap3A_1137 = arith.index_cast %scan3A_1101 : i32 to index
        %swap3A_1138 = arith.constant 112 : index
        %swap3A_1139 = tpu.vector_load %arg9[%swap3A_1137, %swap3A_1138] {strides = array<i32>} : memref<128x128xf32, #tpu.memory_space<vmem>>, vector<1x16xf32>,
        %swap3A_1140 = vector.shape_cast %swap3A_1139 : vector<1x16xf32> to vector<16xf32>
        %swap3A_1141 = vector.shape_cast %get3A_307 : vector<16xf32> to vector<1x16xf32>
        tpu.vector_store %arg9[%swap3A_1137, %swap3A_1138], %swap3A_1141 {add = true, strides = array<i32>} : memref<128x128xf32, #tpu.memory_space<vmem>>, vector<1x16xf32>,
      }
      %scan3A_313 = arith.constant 128 : i32
      %dma_start3A_314 = arith.constant 0 : i32
      %dma_start3A_315 = arith.constant 0 : i32
      %dma_start3A_316 = tpu.memref_slice %arg5[%dma_start3A_314, %dma_start3A_315] : memref<204800x128xf32, #tpu.memory_space<hbm>> -> memref<204800x128xf32, #tpu.memory_space<hbm>>
      tpu.enqueue_indirect_dma source(%arg9 : memref<128x128xf32, #tpu.memory_space<vmem>>) target(%dma_start3A_316 : memref<204800x128xf32, #tpu.memory_space<hbm>>) offsets(%arg14 : memref<128xi32, #tpu.memory_space<vmem>>) semaphore(%arg24 : memref<!tpu.dma_semaphore, #tpu.memory_space<semaphore_mem>>)
      %mul3A_317 = arith.constant 5 : i32
      %mul3A_318 = arith.muli %mul3A_317, %scan3A_126 : i32
      %add3A_319 = arith.constant 1 : i32
      %add3A_320 = arith.addi %mul3A_318, %add3A_319 : i32
      %add3A_321 = arith.constant 3 : i32
      %add3A_322 = arith.addi %add3A_320, %add3A_321 : i32
      %sub3A_323 = arith.constant 5 : i32
      %sub3A_324 = arith.subi %add3A_322, %sub3A_323 : i32
      %ge3A_325 = arith.constant 0 : i32
      %ge3A_326 = arith.cmpi sge, %sub3A_324, %ge3A_325 : i32
      %convert_element_type3A_327 = arith.extui %ge3A_326 : i1 to i32
      %cond3A_328 = arith.constant 0 : i32
      %cond3A_329 = arith.cmpi ne, %convert_element_type3A_327, %cond3A_328 : i32
      scf.if %cond3A_329 {
        %add3A_1101 = arith.constant 3 : i32
        %add3A_1102 = arith.addi %add3A_320, %add3A_1101 : i32
        %sub3A_1103 = arith.constant 5 : i32
        %sub3A_1104 = arith.subi %add3A_1102, %sub3A_1103 : i32
        %dma_wait3A_1105 = arith.constant 0 : i32
        %dma_wait3A_1106 = arith.constant 0 : i32
        %dma_wait3A_1107 = tpu.memref_slice %arg5[%dma_wait3A_1105, %dma_wait3A_1106] : memref<204800x128xf32, #tpu.memory_space<hbm>> -> memref<204800x128xf32, #tpu.memory_space<hbm>>
        tpu.wait_indirect_dma semaphore(%arg28 : memref<!tpu.dma_semaphore, #tpu.memory_space<semaphore_mem>>) src(%arg13 : memref<128x128xf32, #tpu.memory_space<vmem>>) dst(%dma_wait3A_1107 : memref<204800x128xf32, #tpu.memory_space<hbm>>)
      } else {
      }
      %add3A_330 = arith.constant 3 : i32
      %add3A_331 = arith.addi %add3A_320, %add3A_330 : i32
      %lt3A_332 = arith.constant 50 : i32
      %lt3A_333 = arith.cmpi slt, %add3A_331, %lt3A_332 : i32
      %convert_element_type3A_334 = arith.extui %lt3A_333 : i1 to i32
      %cond3A_335 = arith.constant 0 : i32
      %cond3A_336 = arith.cmpi ne, %convert_element_type3A_334, %cond3A_335 : i32
      scf.if %cond3A_336 {
        %add3A_1101 = arith.constant 3 : i32
        %add3A_1102 = arith.addi %add3A_320, %add3A_1101 : i32
        %mul3A_1103 = arith.constant 128 : i32
        %mul3A_1104 = arith.muli %add3A_1102, %mul3A_1103 : i32
        %dma_start3A_1105 = tpu.memref_slice %arg6[%mul3A_1104] : memref<6400xi32, #tpu.memory_space<vmem>> -> memref<128xi32, #tpu.memory_space<vmem>>
        %dma_start3A_1106 = arith.constant 0 : i32
        %dma_start3A_1107 = arith.constant 0 : i32
        %dma_start3A_1108 = tpu.memref_slice %arg3[%dma_start3A_1106, %dma_start3A_1107] : memref<100000x128xf32, #tpu.memory_space<hbm>> -> memref<100000x128xf32, #tpu.memory_space<hbm>>
        tpu.enqueue_indirect_dma source(%dma_start3A_1108 : memref<100000x128xf32, #tpu.memory_space<hbm>>) target(%arg13 : memref<128x128xf32, #tpu.memory_space<vmem>>) offsets(%dma_start3A_1105 : memref<128xi32, #tpu.memory_space<vmem>>) semaphore(%arg23 : memref<!tpu.dma_semaphore, #tpu.memory_space<semaphore_mem>>)
      } else {
      }
      %mul3A_337 = arith.constant 128 : i32
      %mul3A_338 = arith.muli %add3A_320, %mul3A_337 : i32
      %dma_wait3A_339 = tpu.memref_slice %arg6[%mul3A_338] : memref<6400xi32, #tpu.memory_space<vmem>> -> memref<128xi32, #tpu.memory_space<vmem>>
      %dma_wait3A_340 = arith.constant 0 : i32
      %dma_wait3A_341 = arith.constant 0 : i32
      %dma_wait3A_342 = tpu.memref_slice %arg3[%dma_wait3A_340, %dma_wait3A_341] : memref<100000x128xf32, #tpu.memory_space<hbm>> -> memref<100000x128xf32, #tpu.memory_space<hbm>>
      tpu.wait_indirect_dma semaphore(%arg20 : memref<!tpu.dma_semaphore, #tpu.memory_space<semaphore_mem>>) src(%dma_wait3A_342 : memref<100000x128xf32, #tpu.memory_space<hbm>>) dst(%arg10 : memref<128x128xf32, #tpu.memory_space<vmem>>)
      %add3A_343 = arith.addi %mul3A_2, %add3A_320 : i32
      %jit3A_344 = arith.constant 8 : i32
      %div3A_345 = arith.divsi %add3A_343, %jit3A_344 : i32
      %sign3A_346 = arith.constant 0 : i32
      %sign3A_347 = arith.cmpi sgt, %add3A_343, %sign3A_346 : i32
      %sign3A_348 = arith.extui %sign3A_347 : i1 to i32
      %sign3A_349 = arith.constant 0 : i32
      %sign3A_350 = arith.cmpi slt, %add3A_343, %sign3A_349 : i32
      %sign3A_351 = arith.extui %sign3A_350 : i1 to i32
      %sign3A_352 = arith.subi %sign3A_348, %sign3A_351 : i32
      %sign3A_353 = arith.constant 0 : i32
      %sign3A_354 = arith.cmpi sgt, %jit3A_344, %sign3A_353 : i32
      %sign3A_355 = arith.extui %sign3A_354 : i1 to i32
      %sign3A_356 = arith.constant 0 : i32
      %sign3A_357 = arith.cmpi slt, %jit3A_344, %sign3A_356 : i32
      %sign3A_358 = arith.extui %sign3A_357 : i1 to i32
      %sign3A_359 = arith.subi %sign3A_355, %sign3A_358 : i32
      %ne3A_360 = arith.cmpi ne, %sign3A_352, %sign3A_359 : i32
      %rem3A_361 = arith.remsi %add3A_343, %jit3A_344 : i32
      %ne3A_362 = arith.constant 0 : i32
      %ne3A_363 = arith.cmpi ne, %rem3A_361, %ne3A_362 : i32
      %and3A_364 = arith.andi %ne3A_360, %ne3A_363 : i1
      %sub3A_365 = arith.constant 1 : i32
      %sub3A_366 = arith.subi %div3A_345, %sub3A_365 : i32
      %select_n3A_367 = arith.select %and3A_364, %sub3A_366, %div3A_345 : i32
      %jit3A_368 = arith.constant 8 : i32
      %eq3A_369 = arith.constant 0 : i32
      %eq3A_370 = arith.cmpi eq, %jit3A_368, %eq3A_369 : i32
      %jit3A_371 = arith.constant 1 : i32
      %select_n3A_372 = arith.select %eq3A_370, %jit3A_371, %jit3A_368 : i32
      %rem3A_373 = arith.remsi %add3A_343, %select_n3A_372 : i32
      %ne3A_374 = arith.constant 0 : i32
      %ne3A_375 = arith.cmpi ne, %rem3A_373, %ne3A_374 : i32
      %lt3A_376 = arith.constant 0 : i32
      %lt3A_377 = arith.cmpi slt, %rem3A_373, %lt3A_376 : i32
      %lt3A_378 = arith.constant 0 : i32
      %lt3A_379 = arith.cmpi slt, %select_n3A_372, %lt3A_378 : i32
      %ne3A_380 = arith.xori %lt3A_377, %lt3A_379 : i1
      %and3A_381 = arith.andi %ne3A_380, %ne3A_375 : i1
      %add3A_382 = arith.addi %rem3A_373, %select_n3A_372 : i32
      %select_n3A_383 = arith.select %and3A_381, %add3A_382, %rem3A_373 : i32
      %mul3A_384 = arith.constant 128 : i32
      %mul3A_385 = arith.muli %select_n3A_383, %mul3A_384 : i32
      %mul3A_386 = arith.constant 200 : i32
      %mul3A_387 = arith.muli %mul3A_385, %mul3A_386 : i32
      %add3A_388 = arith.addi %mul3A_387, %select_n3A_367 : i32
      %get3A_389 = arith.constant 0 : index
      %get3A_390 = tpu.vector_load %arg8[%get3A_389] {strides = array<i32>} : memref<128xi32, #tpu.memory_space<vmem>>, vector<16xi32>,
      %get3A_391 = vector.shape_cast %get3A_390 : vector<16xi32> to vector<16xi32>
      %add3A_392 = vector.broadcast %add3A_388 : i32 to vector<16xi32>
      %add3A_393 = arith.addi %get3A_391, %add3A_392 : vector<16xi32>
      %swap3A_394 = arith.constant 0 : index
      %swap3A_395 = tpu.vector_load %arg15[%swap3A_394] {strides = array<i32>} : memref<128xi32, #tpu.memory_space<vmem>>, vector<16xi32>,
      %swap3A_396 = vector.shape_cast %swap3A_395 : vector<16xi32> to vector<16xi32>
      %swap3A_397 = vector.shape_cast %add3A_393 : vector<16xi32> to vector<16xi32>
      tpu.vector_store %arg15[%swap3A_394], %swap3A_397 {strides = array<i32>} : memref<128xi32, #tpu.memory_space<vmem>>, vector<16xi32>,
      %get3A_398 = arith.constant 16 : index
      %get3A_399 = tpu.vector_load %arg8[%get3A_398] {strides = array<i32>} : memref<128xi32, #tpu.memory_space<vmem>>, vector<16xi32>,
      %get3A_400 = vector.shape_cast %get3A_399 : vector<16xi32> to vector<16xi32>
      %add3A_401 = vector.broadcast %add3A_388 : i32 to vector<16xi32>
      %add3A_402 = arith.addi %get3A_400, %add3A_401 : vector<16xi32>
      %swap3A_403 = arith.constant 16 : index
      %swap3A_404 = tpu.vector_load %arg15[%swap3A_403] {strides = array<i32>} : memref<128xi32, #tpu.memory_space<vmem>>, vector<16xi32>,
      %swap3A_405 = vector.shape_cast %swap3A_404 : vector<16xi32> to vector<16xi32>
      %swap3A_406 = vector.shape_cast %add3A_402 : vector<16xi32> to vector<16xi32>
      tpu.vector_store %arg15[%swap3A_403], %swap3A_406 {strides = array<i32>} : memref<128xi32, #tpu.memory_space<vmem>>, vector<16xi32>,
      %get3A_407 = arith.constant 32 : index
      %get3A_408 = tpu.vector_load %arg8[%get3A_407] {strides = array<i32>} : memref<128xi32, #tpu.memory_space<vmem>>, vector<16xi32>,
      %get3A_409 = vector.shape_cast %get3A_408 : vector<16xi32> to vector<16xi32>
      %add3A_410 = vector.broadcast %add3A_388 : i32 to vector<16xi32>
      %add3A_411 = arith.addi %get3A_409, %add3A_410 : vector<16xi32>
      %swap3A_412 = arith.constant 32 : index
      %swap3A_413 = tpu.vector_load %arg15[%swap3A_412] {strides = array<i32>} : memref<128xi32, #tpu.memory_space<vmem>>, vector<16xi32>,
      %swap3A_414 = vector.shape_cast %swap3A_413 : vector<16xi32> to vector<16xi32>
      %swap3A_415 = vector.shape_cast %add3A_411 : vector<16xi32> to vector<16xi32>
      tpu.vector_store %arg15[%swap3A_412], %swap3A_415 {strides = array<i32>} : memref<128xi32, #tpu.memory_space<vmem>>, vector<16xi32>,
      %get3A_416 = arith.constant 48 : index
      %get3A_417 = tpu.vector_load %arg8[%get3A_416] {strides = array<i32>} : memref<128xi32, #tpu.memory_space<vmem>>, vector<16xi32>,
      %get3A_418 = vector.shape_cast %get3A_417 : vector<16xi32> to vector<16xi32>
      %add3A_419 = vector.broadcast %add3A_388 : i32 to vector<16xi32>
      %add3A_420 = arith.addi %get3A_418, %add3A_419 : vector<16xi32>
      %swap3A_421 = arith.constant 48 : index
      %swap3A_422 = tpu.vector_load %arg15[%swap3A_421] {strides = array<i32>} : memref<128xi32, #tpu.memory_space<vmem>>, vector<16xi32>,
      %swap3A_423 = vector.shape_cast %swap3A_422 : vector<16xi32> to vector<16xi32>
      %swap3A_424 = vector.shape_cast %add3A_420 : vector<16xi32> to vector<16xi32>
      tpu.vector_store %arg15[%swap3A_421], %swap3A_424 {strides = array<i32>} : memref<128xi32, #tpu.memory_space<vmem>>, vector<16xi32>,
      %get3A_425 = arith.constant 64 : index
      %get3A_426 = tpu.vector_load %arg8[%get3A_425] {strides = array<i32>} : memref<128xi32, #tpu.memory_space<vmem>>, vector<16xi32>,
      %get3A_427 = vector.shape_cast %get3A_426 : vector<16xi32> to vector<16xi32>
      %add3A_428 = vector.broadcast %add3A_388 : i32 to vector<16xi32>
      %add3A_429 = arith.addi %get3A_427, %add3A_428 : vector<16xi32>
      %swap3A_430 = arith.constant 64 : index
      %swap3A_431 = tpu.vector_load %arg15[%swap3A_430] {strides = array<i32>} : memref<128xi32, #tpu.memory_space<vmem>>, vector<16xi32>,
      %swap3A_432 = vector.shape_cast %swap3A_431 : vector<16xi32> to vector<16xi32>
      %swap3A_433 = vector.shape_cast %add3A_429 : vector<16xi32> to vector<16xi32>
      tpu.vector_store %arg15[%swap3A_430], %swap3A_433 {strides = array<i32>} : memref<128xi32, #tpu.memory_space<vmem>>, vector<16xi32>,
      %get3A_434 = arith.constant 80 : index
      %get3A_435 = tpu.vector_load %arg8[%get3A_434] {strides = array<i32>} : memref<128xi32, #tpu.memory_space<vmem>>, vector<16xi32>,
      %get3A_436 = vector.shape_cast %get3A_435 : vector<16xi32> to vector<16xi32>
      %add3A_437 = vector.broadcast %add3A_388 : i32 to vector<16xi32>
      %add3A_438 = arith.addi %get3A_436, %add3A_437 : vector<16xi32>
      %swap3A_439 = arith.constant 80 : index
      %swap3A_440 = tpu.vector_load %arg15[%swap3A_439] {strides = array<i32>} : memref<128xi32, #tpu.memory_space<vmem>>, vector<16xi32>,
      %swap3A_441 = vector.shape_cast %swap3A_440 : vector<16xi32> to vector<16xi32>
      %swap3A_442 = vector.shape_cast %add3A_438 : vector<16xi32> to vector<16xi32>
      tpu.vector_store %arg15[%swap3A_439], %swap3A_442 {strides = array<i32>} : memref<128xi32, #tpu.memory_space<vmem>>, vector<16xi32>,
      %get3A_443 = arith.constant 96 : index
      %get3A_444 = tpu.vector_load %arg8[%get3A_443] {strides = array<i32>} : memref<128xi32, #tpu.memory_space<vmem>>, vector<16xi32>,
      %get3A_445 = vector.shape_cast %get3A_444 : vector<16xi32> to vector<16xi32>
      %add3A_446 = vector.broadcast %add3A_388 : i32 to vector<16xi32>
      %add3A_447 = arith.addi %get3A_445, %add3A_446 : vector<16xi32>
      %swap3A_448 = arith.constant 96 : index
      %swap3A_449 = tpu.vector_load %arg15[%swap3A_448] {strides = array<i32>} : memref<128xi32, #tpu.memory_space<vmem>>, vector<16xi32>,
      %swap3A_450 = vector.shape_cast %swap3A_449 : vector<16xi32> to vector<16xi32>
      %swap3A_451 = vector.shape_cast %add3A_447 : vector<16xi32> to vector<16xi32>
      tpu.vector_store %arg15[%swap3A_448], %swap3A_451 {strides = array<i32>} : memref<128xi32, #tpu.memory_space<vmem>>, vector<16xi32>,
      %get3A_452 = arith.constant 112 : index
      %get3A_453 = tpu.vector_load %arg8[%get3A_452] {strides = array<i32>} : memref<128xi32, #tpu.memory_space<vmem>>, vector<16xi32>,
      %get3A_454 = vector.shape_cast %get3A_453 : vector<16xi32> to vector<16xi32>
      %add3A_455 = vector.broadcast %add3A_388 : i32 to vector<16xi32>
      %add3A_456 = arith.addi %get3A_454, %add3A_455 : vector<16xi32>
      %swap3A_457 = arith.constant 112 : index
      %swap3A_458 = tpu.vector_load %arg15[%swap3A_457] {strides = array<i32>} : memref<128xi32, #tpu.memory_space<vmem>>, vector<16xi32>,
      %swap3A_459 = vector.shape_cast %swap3A_458 : vector<16xi32> to vector<16xi32>
      %swap3A_460 = vector.shape_cast %add3A_456 : vector<16xi32> to vector<16xi32>
      tpu.vector_store %arg15[%swap3A_457], %swap3A_460 {strides = array<i32>} : memref<128xi32, #tpu.memory_space<vmem>>, vector<16xi32>,
      %sub3A_461 = arith.subi %select_n3A_367, %select_n3A : i32
      %mul3A_462 = arith.constant 128 : i32
      %mul3A_463 = arith.muli %sub3A_461, %mul3A_462 : i32
      %add3A_464 = arith.constant 0 : i32
      %add3A_465 = arith.addi %mul3A_463, %add3A_464 : i32
      %get3A_466 = arith.index_cast %add3A_465 : i32 to index
      %get3A_467 = tpu.vector_load %arg7[%get3A_466] {strides = array<i32>} : memref<896xf32, #tpu.memory_space<vmem>>, vector<16xf32>,
      %get3A_468 = vector.shape_cast %get3A_467 : vector<16xf32> to vector<16xf32>
      %add3A_469 = arith.constant 16 : i32
      %add3A_470 = arith.addi %mul3A_463, %add3A_469 : i32
      %get3A_471 = arith.index_cast %add3A_470 : i32 to index
      %get3A_472 = tpu.vector_load %arg7[%get3A_471] {strides = array<i32>} : memref<896xf32, #tpu.memory_space<vmem>>, vector<16xf32>,
      %get3A_473 = vector.shape_cast %get3A_472 : vector<16xf32> to vector<16xf32>
      %add3A_474 = arith.constant 32 : i32
      %add3A_475 = arith.addi %mul3A_463, %add3A_474 : i32
      %get3A_476 = arith.index_cast %add3A_475 : i32 to index
      %get3A_477 = tpu.vector_load %arg7[%get3A_476] {strides = array<i32>} : memref<896xf32, #tpu.memory_space<vmem>>, vector<16xf32>,
      %get3A_478 = vector.shape_cast %get3A_477 : vector<16xf32> to vector<16xf32>
      %add3A_479 = arith.constant 48 : i32
      %add3A_480 = arith.addi %mul3A_463, %add3A_479 : i32
      %get3A_481 = arith.index_cast %add3A_480 : i32 to index
      %get3A_482 = tpu.vector_load %arg7[%get3A_481] {strides = array<i32>} : memref<896xf32, #tpu.memory_space<vmem>>, vector<16xf32>,
      %get3A_483 = vector.shape_cast %get3A_482 : vector<16xf32> to vector<16xf32>
      %add3A_484 = arith.constant 64 : i32
      %add3A_485 = arith.addi %mul3A_463, %add3A_484 : i32
      %get3A_486 = arith.index_cast %add3A_485 : i32 to index
      %get3A_487 = tpu.vector_load %arg7[%get3A_486] {strides = array<i32>} : memref<896xf32, #tpu.memory_space<vmem>>, vector<16xf32>,
      %get3A_488 = vector.shape_cast %get3A_487 : vector<16xf32> to vector<16xf32>
      %add3A_489 = arith.constant 80 : i32
      %add3A_490 = arith.addi %mul3A_463, %add3A_489 : i32
      %get3A_491 = arith.index_cast %add3A_490 : i32 to index
      %get3A_492 = tpu.vector_load %arg7[%get3A_491] {strides = array<i32>} : memref<896xf32, #tpu.memory_space<vmem>>, vector<16xf32>,
      %get3A_493 = vector.shape_cast %get3A_492 : vector<16xf32> to vector<16xf32>
      %add3A_494 = arith.constant 96 : i32
      %add3A_495 = arith.addi %mul3A_463, %add3A_494 : i32
      %get3A_496 = arith.index_cast %add3A_495 : i32 to index
      %get3A_497 = tpu.vector_load %arg7[%get3A_496] {strides = array<i32>} : memref<896xf32, #tpu.memory_space<vmem>>, vector<16xf32>,
      %get3A_498 = vector.shape_cast %get3A_497 : vector<16xf32> to vector<16xf32>
      %add3A_499 = arith.constant 112 : i32
      %add3A_500 = arith.addi %mul3A_463, %add3A_499 : i32
      %get3A_501 = arith.index_cast %add3A_500 : i32 to index
      %get3A_502 = tpu.vector_load %arg7[%get3A_501] {strides = array<i32>} : memref<896xf32, #tpu.memory_space<vmem>>, vector<16xf32>,
      %get3A_503 = vector.shape_cast %get3A_502 : vector<16xf32> to vector<16xf32>
      %scan3A_504 = arith.constant 0 : i32
      %scan3A_505 = arith.constant 0 : i32
      %scan3A_506 = arith.constant 128 : i32
      %scan3A_507 = arith.addi %scan3A_505, %scan3A_506 : i32
      %scan3A_508 = arith.constant 1 : i32
      scf.for %scan3A_1101 = %scan3A_505 to %scan3A_507 step %scan3A_508  : i32 {
        %swap3A_1102 = arith.index_cast %scan3A_1101 : i32 to index
        %swap3A_1103 = arith.constant 0 : index
        %swap3A_1104 = tpu.vector_load %arg10[%swap3A_1102, %swap3A_1103] {strides = array<i32>} : memref<128x128xf32, #tpu.memory_space<vmem>>, vector<1x16xf32>,
        %swap3A_1105 = vector.shape_cast %swap3A_1104 : vector<1x16xf32> to vector<16xf32>
        %swap3A_1106 = vector.shape_cast %get3A_468 : vector<16xf32> to vector<1x16xf32>
        tpu.vector_store %arg10[%swap3A_1102, %swap3A_1103], %swap3A_1106 {add = true, strides = array<i32>} : memref<128x128xf32, #tpu.memory_space<vmem>>, vector<1x16xf32>,
        %swap3A_1107 = arith.index_cast %scan3A_1101 : i32 to index
        %swap3A_1108 = arith.constant 16 : index
        %swap3A_1109 = tpu.vector_load %arg10[%swap3A_1107, %swap3A_1108] {strides = array<i32>} : memref<128x128xf32, #tpu.memory_space<vmem>>, vector<1x16xf32>,
        %swap3A_1110 = vector.shape_cast %swap3A_1109 : vector<1x16xf32> to vector<16xf32>
        %swap3A_1111 = vector.shape_cast %get3A_473 : vector<16xf32> to vector<1x16xf32>
        tpu.vector_store %arg10[%swap3A_1107, %swap3A_1108], %swap3A_1111 {add = true, strides = array<i32>} : memref<128x128xf32, #tpu.memory_space<vmem>>, vector<1x16xf32>,
        %swap3A_1112 = arith.index_cast %scan3A_1101 : i32 to index
        %swap3A_1113 = arith.constant 32 : index
        %swap3A_1114 = tpu.vector_load %arg10[%swap3A_1112, %swap3A_1113] {strides = array<i32>} : memref<128x128xf32, #tpu.memory_space<vmem>>, vector<1x16xf32>,
        %swap3A_1115 = vector.shape_cast %swap3A_1114 : vector<1x16xf32> to vector<16xf32>
        %swap3A_1116 = vector.shape_cast %get3A_478 : vector<16xf32> to vector<1x16xf32>
        tpu.vector_store %arg10[%swap3A_1112, %swap3A_1113], %swap3A_1116 {add = true, strides = array<i32>} : memref<128x128xf32, #tpu.memory_space<vmem>>, vector<1x16xf32>,
        %swap3A_1117 = arith.index_cast %scan3A_1101 : i32 to index
        %swap3A_1118 = arith.constant 48 : index
        %swap3A_1119 = tpu.vector_load %arg10[%swap3A_1117, %swap3A_1118] {strides = array<i32>} : memref<128x128xf32, #tpu.memory_space<vmem>>, vector<1x16xf32>,
        %swap3A_1120 = vector.shape_cast %swap3A_1119 : vector<1x16xf32> to vector<16xf32>
        %swap3A_1121 = vector.shape_cast %get3A_483 : vector<16xf32> to vector<1x16xf32>
        tpu.vector_store %arg10[%swap3A_1117, %swap3A_1118], %swap3A_1121 {add = true, strides = array<i32>} : memref<128x128xf32, #tpu.memory_space<vmem>>, vector<1x16xf32>,
        %swap3A_1122 = arith.index_cast %scan3A_1101 : i32 to index
        %swap3A_1123 = arith.constant 64 : index
        %swap3A_1124 = tpu.vector_load %arg10[%swap3A_1122, %swap3A_1123] {strides = array<i32>} : memref<128x128xf32, #tpu.memory_space<vmem>>, vector<1x16xf32>,
        %swap3A_1125 = vector.shape_cast %swap3A_1124 : vector<1x16xf32> to vector<16xf32>
        %swap3A_1126 = vector.shape_cast %get3A_488 : vector<16xf32> to vector<1x16xf32>
        tpu.vector_store %arg10[%swap3A_1122, %swap3A_1123], %swap3A_1126 {add = true, strides = array<i32>} : memref<128x128xf32, #tpu.memory_space<vmem>>, vector<1x16xf32>,
        %swap3A_1127 = arith.index_cast %scan3A_1101 : i32 to index
        %swap3A_1128 = arith.constant 80 : index
        %swap3A_1129 = tpu.vector_load %arg10[%swap3A_1127, %swap3A_1128] {strides = array<i32>} : memref<128x128xf32, #tpu.memory_space<vmem>>, vector<1x16xf32>,
        %swap3A_1130 = vector.shape_cast %swap3A_1129 : vector<1x16xf32> to vector<16xf32>
        %swap3A_1131 = vector.shape_cast %get3A_493 : vector<16xf32> to vector<1x16xf32>
        tpu.vector_store %arg10[%swap3A_1127, %swap3A_1128], %swap3A_1131 {add = true, strides = array<i32>} : memref<128x128xf32, #tpu.memory_space<vmem>>, vector<1x16xf32>,
        %swap3A_1132 = arith.index_cast %scan3A_1101 : i32 to index
        %swap3A_1133 = arith.constant 96 : index
        %swap3A_1134 = tpu.vector_load %arg10[%swap3A_1132, %swap3A_1133] {strides = array<i32>} : memref<128x128xf32, #tpu.memory_space<vmem>>, vector<1x16xf32>,
        %swap3A_1135 = vector.shape_cast %swap3A_1134 : vector<1x16xf32> to vector<16xf32>
        %swap3A_1136 = vector.shape_cast %get3A_498 : vector<16xf32> to vector<1x16xf32>
        tpu.vector_store %arg10[%swap3A_1132, %swap3A_1133], %swap3A_1136 {add = true, strides = array<i32>} : memref<128x128xf32, #tpu.memory_space<vmem>>, vector<1x16xf32>,
        %swap3A_1137 = arith.index_cast %scan3A_1101 : i32 to index
        %swap3A_1138 = arith.constant 112 : index
        %swap3A_1139 = tpu.vector_load %arg10[%swap3A_1137, %swap3A_1138] {strides = array<i32>} : memref<128x128xf32, #tpu.memory_space<vmem>>, vector<1x16xf32>,
        %swap3A_1140 = vector.shape_cast %swap3A_1139 : vector<1x16xf32> to vector<16xf32>
        %swap3A_1141 = vector.shape_cast %get3A_503 : vector<16xf32> to vector<1x16xf32>
        tpu.vector_store %arg10[%swap3A_1137, %swap3A_1138], %swap3A_1141 {add = true, strides = array<i32>} : memref<128x128xf32, #tpu.memory_space<vmem>>, vector<1x16xf32>,
      }
      %scan3A_509 = arith.constant 128 : i32
      %dma_start3A_510 = arith.constant 0 : i32
      %dma_start3A_511 = arith.constant 0 : i32
      %dma_start3A_512 = tpu.memref_slice %arg5[%dma_start3A_510, %dma_start3A_511] : memref<204800x128xf32, #tpu.memory_space<hbm>> -> memref<204800x128xf32, #tpu.memory_space<hbm>>
      tpu.enqueue_indirect_dma source(%arg10 : memref<128x128xf32, #tpu.memory_space<vmem>>) target(%dma_start3A_512 : memref<204800x128xf32, #tpu.memory_space<hbm>>) offsets(%arg15 : memref<128xi32, #tpu.memory_space<vmem>>) semaphore(%arg25 : memref<!tpu.dma_semaphore, #tpu.memory_space<semaphore_mem>>)
      %mul3A_513 = arith.constant 5 : i32
      %mul3A_514 = arith.muli %mul3A_513, %scan3A_126 : i32
      %add3A_515 = arith.constant 2 : i32
      %add3A_516 = arith.addi %mul3A_514, %add3A_515 : i32
      %add3A_517 = arith.constant 3 : i32
      %add3A_518 = arith.addi %add3A_516, %add3A_517 : i32
      %sub3A_519 = arith.constant 5 : i32
      %sub3A_520 = arith.subi %add3A_518, %sub3A_519 : i32
      %ge3A_521 = arith.constant 0 : i32
      %ge3A_522 = arith.cmpi sge, %sub3A_520, %ge3A_521 : i32
      %convert_element_type3A_523 = arith.extui %ge3A_522 : i1 to i32
      %cond3A_524 = arith.constant 0 : i32
      %cond3A_525 = arith.cmpi ne, %convert_element_type3A_523, %cond3A_524 : i32
      scf.if %cond3A_525 {
        %add3A_1101 = arith.constant 3 : i32
        %add3A_1102 = arith.addi %add3A_516, %add3A_1101 : i32
        %sub3A_1103 = arith.constant 5 : i32
        %sub3A_1104 = arith.subi %add3A_1102, %sub3A_1103 : i32
        %dma_wait3A_1105 = arith.constant 0 : i32
        %dma_wait3A_1106 = arith.constant 0 : i32
        %dma_wait3A_1107 = tpu.memref_slice %arg5[%dma_wait3A_1105, %dma_wait3A_1106] : memref<204800x128xf32, #tpu.memory_space<hbm>> -> memref<204800x128xf32, #tpu.memory_space<hbm>>
        tpu.wait_indirect_dma semaphore(%arg24 : memref<!tpu.dma_semaphore, #tpu.memory_space<semaphore_mem>>) src(%arg9 : memref<128x128xf32, #tpu.memory_space<vmem>>) dst(%dma_wait3A_1107 : memref<204800x128xf32, #tpu.memory_space<hbm>>)
      } else {
      }
      %add3A_526 = arith.constant 3 : i32
      %add3A_527 = arith.addi %add3A_516, %add3A_526 : i32
      %lt3A_528 = arith.constant 50 : i32
      %lt3A_529 = arith.cmpi slt, %add3A_527, %lt3A_528 : i32
      %convert_element_type3A_530 = arith.extui %lt3A_529 : i1 to i32
      %cond3A_531 = arith.constant 0 : i32
      %cond3A_532 = arith.cmpi ne, %convert_element_type3A_530, %cond3A_531 : i32
      scf.if %cond3A_532 {
        %add3A_1101 = arith.constant 3 : i32
        %add3A_1102 = arith.addi %add3A_516, %add3A_1101 : i32
        %mul3A_1103 = arith.constant 128 : i32
        %mul3A_1104 = arith.muli %add3A_1102, %mul3A_1103 : i32
        %dma_start3A_1105 = tpu.memref_slice %arg6[%mul3A_1104] : memref<6400xi32, #tpu.memory_space<vmem>> -> memref<128xi32, #tpu.memory_space<vmem>>
        %dma_start3A_1106 = arith.constant 0 : i32
        %dma_start3A_1107 = arith.constant 0 : i32
        %dma_start3A_1108 = tpu.memref_slice %arg3[%dma_start3A_1106, %dma_start3A_1107] : memref<100000x128xf32, #tpu.memory_space<hbm>> -> memref<100000x128xf32, #tpu.memory_space<hbm>>
        tpu.enqueue_indirect_dma source(%dma_start3A_1108 : memref<100000x128xf32, #tpu.memory_space<hbm>>) target(%arg9 : memref<128x128xf32, #tpu.memory_space<vmem>>) offsets(%dma_start3A_1105 : memref<128xi32, #tpu.memory_space<vmem>>) semaphore(%arg19 : memref<!tpu.dma_semaphore, #tpu.memory_space<semaphore_mem>>)
      } else {
      }
      %mul3A_533 = arith.constant 128 : i32
      %mul3A_534 = arith.muli %add3A_516, %mul3A_533 : i32
      %dma_wait3A_535 = tpu.memref_slice %arg6[%mul3A_534] : memref<6400xi32, #tpu.memory_space<vmem>> -> memref<128xi32, #tpu.memory_space<vmem>>
      %dma_wait3A_536 = arith.constant 0 : i32
      %dma_wait3A_537 = arith.constant 0 : i32
      %dma_wait3A_538 = tpu.memref_slice %arg3[%dma_wait3A_536, %dma_wait3A_537] : memref<100000x128xf32, #tpu.memory_space<hbm>> -> memref<100000x128xf32, #tpu.memory_space<hbm>>
      tpu.wait_indirect_dma semaphore(%arg21 : memref<!tpu.dma_semaphore, #tpu.memory_space<semaphore_mem>>) src(%dma_wait3A_538 : memref<100000x128xf32, #tpu.memory_space<hbm>>) dst(%arg11 : memref<128x128xf32, #tpu.memory_space<vmem>>)
      %add3A_539 = arith.addi %mul3A_2, %add3A_516 : i32
      %jit3A_540 = arith.constant 8 : i32
      %div3A_541 = arith.divsi %add3A_539, %jit3A_540 : i32
      %sign3A_542 = arith.constant 0 : i32
      %sign3A_543 = arith.cmpi sgt, %add3A_539, %sign3A_542 : i32
      %sign3A_544 = arith.extui %sign3A_543 : i1 to i32
      %sign3A_545 = arith.constant 0 : i32
      %sign3A_546 = arith.cmpi slt, %add3A_539, %sign3A_545 : i32
      %sign3A_547 = arith.extui %sign3A_546 : i1 to i32
      %sign3A_548 = arith.subi %sign3A_544, %sign3A_547 : i32
      %sign3A_549 = arith.constant 0 : i32
      %sign3A_550 = arith.cmpi sgt, %jit3A_540, %sign3A_549 : i32
      %sign3A_551 = arith.extui %sign3A_550 : i1 to i32
      %sign3A_552 = arith.constant 0 : i32
      %sign3A_553 = arith.cmpi slt, %jit3A_540, %sign3A_552 : i32
      %sign3A_554 = arith.extui %sign3A_553 : i1 to i32
      %sign3A_555 = arith.subi %sign3A_551, %sign3A_554 : i32
      %ne3A_556 = arith.cmpi ne, %sign3A_548, %sign3A_555 : i32
      %rem3A_557 = arith.remsi %add3A_539, %jit3A_540 : i32
      %ne3A_558 = arith.constant 0 : i32
      %ne3A_559 = arith.cmpi ne, %rem3A_557, %ne3A_558 : i32
      %and3A_560 = arith.andi %ne3A_556, %ne3A_559 : i1
      %sub3A_561 = arith.constant 1 : i32
      %sub3A_562 = arith.subi %div3A_541, %sub3A_561 : i32
      %select_n3A_563 = arith.select %and3A_560, %sub3A_562, %div3A_541 : i32
      %jit3A_564 = arith.constant 8 : i32
      %eq3A_565 = arith.constant 0 : i32
      %eq3A_566 = arith.cmpi eq, %jit3A_564, %eq3A_565 : i32
      %jit3A_567 = arith.constant 1 : i32
      %select_n3A_568 = arith.select %eq3A_566, %jit3A_567, %jit3A_564 : i32
      %rem3A_569 = arith.remsi %add3A_539, %select_n3A_568 : i32
      %ne3A_570 = arith.constant 0 : i32
      %ne3A_571 = arith.cmpi ne, %rem3A_569, %ne3A_570 : i32
      %lt3A_572 = arith.constant 0 : i32
      %lt3A_573 = arith.cmpi slt, %rem3A_569, %lt3A_572 : i32
      %lt3A_574 = arith.constant 0 : i32
      %lt3A_575 = arith.cmpi slt, %select_n3A_568, %lt3A_574 : i32
      %ne3A_576 = arith.xori %lt3A_573, %lt3A_575 : i1
      %and3A_577 = arith.andi %ne3A_576, %ne3A_571 : i1
      %add3A_578 = arith.addi %rem3A_569, %select_n3A_568 : i32
      %select_n3A_579 = arith.select %and3A_577, %add3A_578, %rem3A_569 : i32
      %mul3A_580 = arith.constant 128 : i32
      %mul3A_581 = arith.muli %select_n3A_579, %mul3A_580 : i32
      %mul3A_582 = arith.constant 200 : i32
      %mul3A_583 = arith.muli %mul3A_581, %mul3A_582 : i32
      %add3A_584 = arith.addi %mul3A_583, %select_n3A_563 : i32
      %get3A_585 = arith.constant 0 : index
      %get3A_586 = tpu.vector_load %arg8[%get3A_585] {strides = array<i32>} : memref<128xi32, #tpu.memory_space<vmem>>, vector<16xi32>,
      %get3A_587 = vector.shape_cast %get3A_586 : vector<16xi32> to vector<16xi32>
      %add3A_588 = vector.broadcast %add3A_584 : i32 to vector<16xi32>
      %add3A_589 = arith.addi %get3A_587, %add3A_588 : vector<16xi32>
      %swap3A_590 = arith.constant 0 : index
      %swap3A_591 = tpu.vector_load %arg16[%swap3A_590] {strides = array<i32>} : memref<128xi32, #tpu.memory_space<vmem>>, vector<16xi32>,
      %swap3A_592 = vector.shape_cast %swap3A_591 : vector<16xi32> to vector<16xi32>
      %swap3A_593 = vector.shape_cast %add3A_589 : vector<16xi32> to vector<16xi32>
      tpu.vector_store %arg16[%swap3A_590], %swap3A_593 {strides = array<i32>} : memref<128xi32, #tpu.memory_space<vmem>>, vector<16xi32>,
      %get3A_594 = arith.constant 16 : index
      %get3A_595 = tpu.vector_load %arg8[%get3A_594] {strides = array<i32>} : memref<128xi32, #tpu.memory_space<vmem>>, vector<16xi32>,
      %get3A_596 = vector.shape_cast %get3A_595 : vector<16xi32> to vector<16xi32>
      %add3A_597 = vector.broadcast %add3A_584 : i32 to vector<16xi32>
      %add3A_598 = arith.addi %get3A_596, %add3A_597 : vector<16xi32>
      %swap3A_599 = arith.constant 16 : index
      %swap3A_600 = tpu.vector_load %arg16[%swap3A_599] {strides = array<i32>} : memref<128xi32, #tpu.memory_space<vmem>>, vector<16xi32>,
      %swap3A_601 = vector.shape_cast %swap3A_600 : vector<16xi32> to vector<16xi32>
      %swap3A_602 = vector.shape_cast %add3A_598 : vector<16xi32> to vector<16xi32>
      tpu.vector_store %arg16[%swap3A_599], %swap3A_602 {strides = array<i32>} : memref<128xi32, #tpu.memory_space<vmem>>, vector<16xi32>,
      %get3A_603 = arith.constant 32 : index
      %get3A_604 = tpu.vector_load %arg8[%get3A_603] {strides = array<i32>} : memref<128xi32, #tpu.memory_space<vmem>>, vector<16xi32>,
      %get3A_605 = vector.shape_cast %get3A_604 : vector<16xi32> to vector<16xi32>
      %add3A_606 = vector.broadcast %add3A_584 : i32 to vector<16xi32>
      %add3A_607 = arith.addi %get3A_605, %add3A_606 : vector<16xi32>
      %swap3A_608 = arith.constant 32 : index
      %swap3A_609 = tpu.vector_load %arg16[%swap3A_608] {strides = array<i32>} : memref<128xi32, #tpu.memory_space<vmem>>, vector<16xi32>,
      %swap3A_610 = vector.shape_cast %swap3A_609 : vector<16xi32> to vector<16xi32>
      %swap3A_611 = vector.shape_cast %add3A_607 : vector<16xi32> to vector<16xi32>
      tpu.vector_store %arg16[%swap3A_608], %swap3A_611 {strides = array<i32>} : memref<128xi32, #tpu.memory_space<vmem>>, vector<16xi32>,
      %get3A_612 = arith.constant 48 : index
      %get3A_613 = tpu.vector_load %arg8[%get3A_612] {strides = array<i32>} : memref<128xi32, #tpu.memory_space<vmem>>, vector<16xi32>,
      %get3A_614 = vector.shape_cast %get3A_613 : vector<16xi32> to vector<16xi32>
      %add3A_615 = vector.broadcast %add3A_584 : i32 to vector<16xi32>
      %add3A_616 = arith.addi %get3A_614, %add3A_615 : vector<16xi32>
      %swap3A_617 = arith.constant 48 : index
      %swap3A_618 = tpu.vector_load %arg16[%swap3A_617] {strides = array<i32>} : memref<128xi32, #tpu.memory_space<vmem>>, vector<16xi32>,
      %swap3A_619 = vector.shape_cast %swap3A_618 : vector<16xi32> to vector<16xi32>
      %swap3A_620 = vector.shape_cast %add3A_616 : vector<16xi32> to vector<16xi32>
      tpu.vector_store %arg16[%swap3A_617], %swap3A_620 {strides = array<i32>} : memref<128xi32, #tpu.memory_space<vmem>>, vector<16xi32>,
      %get3A_621 = arith.constant 64 : index
      %get3A_622 = tpu.vector_load %arg8[%get3A_621] {strides = array<i32>} : memref<128xi32, #tpu.memory_space<vmem>>, vector<16xi32>,
      %get3A_623 = vector.shape_cast %get3A_622 : vector<16xi32> to vector<16xi32>
      %add3A_624 = vector.broadcast %add3A_584 : i32 to vector<16xi32>
      %add3A_625 = arith.addi %get3A_623, %add3A_624 : vector<16xi32>
      %swap3A_626 = arith.constant 64 : index
      %swap3A_627 = tpu.vector_load %arg16[%swap3A_626] {strides = array<i32>} : memref<128xi32, #tpu.memory_space<vmem>>, vector<16xi32>,
      %swap3A_628 = vector.shape_cast %swap3A_627 : vector<16xi32> to vector<16xi32>
      %swap3A_629 = vector.shape_cast %add3A_625 : vector<16xi32> to vector<16xi32>
      tpu.vector_store %arg16[%swap3A_626], %swap3A_629 {strides = array<i32>} : memref<128xi32, #tpu.memory_space<vmem>>, vector<16xi32>,
      %get3A_630 = arith.constant 80 : index
      %get3A_631 = tpu.vector_load %arg8[%get3A_630] {strides = array<i32>} : memref<128xi32, #tpu.memory_space<vmem>>, vector<16xi32>,
      %get3A_632 = vector.shape_cast %get3A_631 : vector<16xi32> to vector<16xi32>
      %add3A_633 = vector.broadcast %add3A_584 : i32 to vector<16xi32>
      %add3A_634 = arith.addi %get3A_632, %add3A_633 : vector<16xi32>
      %swap3A_635 = arith.constant 80 : index
      %swap3A_636 = tpu.vector_load %arg16[%swap3A_635] {strides = array<i32>} : memref<128xi32, #tpu.memory_space<vmem>>, vector<16xi32>,
      %swap3A_637 = vector.shape_cast %swap3A_636 : vector<16xi32> to vector<16xi32>
      %swap3A_638 = vector.shape_cast %add3A_634 : vector<16xi32> to vector<16xi32>
      tpu.vector_store %arg16[%swap3A_635], %swap3A_638 {strides = array<i32>} : memref<128xi32, #tpu.memory_space<vmem>>, vector<16xi32>,
      %get3A_639 = arith.constant 96 : index
      %get3A_640 = tpu.vector_load %arg8[%get3A_639] {strides = array<i32>} : memref<128xi32, #tpu.memory_space<vmem>>, vector<16xi32>,
      %get3A_641 = vector.shape_cast %get3A_640 : vector<16xi32> to vector<16xi32>
      %add3A_642 = vector.broadcast %add3A_584 : i32 to vector<16xi32>
      %add3A_643 = arith.addi %get3A_641, %add3A_642 : vector<16xi32>
      %swap3A_644 = arith.constant 96 : index
      %swap3A_645 = tpu.vector_load %arg16[%swap3A_644] {strides = array<i32>} : memref<128xi32, #tpu.memory_space<vmem>>, vector<16xi32>,
      %swap3A_646 = vector.shape_cast %swap3A_645 : vector<16xi32> to vector<16xi32>
      %swap3A_647 = vector.shape_cast %add3A_643 : vector<16xi32> to vector<16xi32>
      tpu.vector_store %arg16[%swap3A_644], %swap3A_647 {strides = array<i32>} : memref<128xi32, #tpu.memory_space<vmem>>, vector<16xi32>,
      %get3A_648 = arith.constant 112 : index
      %get3A_649 = tpu.vector_load %arg8[%get3A_648] {strides = array<i32>} : memref<128xi32, #tpu.memory_space<vmem>>, vector<16xi32>,
      %get3A_650 = vector.shape_cast %get3A_649 : vector<16xi32> to vector<16xi32>
      %add3A_651 = vector.broadcast %add3A_584 : i32 to vector<16xi32>
      %add3A_652 = arith.addi %get3A_650, %add3A_651 : vector<16xi32>
      %swap3A_653 = arith.constant 112 : index
      %swap3A_654 = tpu.vector_load %arg16[%swap3A_653] {strides = array<i32>} : memref<128xi32, #tpu.memory_space<vmem>>, vector<16xi32>,
      %swap3A_655 = vector.shape_cast %swap3A_654 : vector<16xi32> to vector<16xi32>
      %swap3A_656 = vector.shape_cast %add3A_652 : vector<16xi32> to vector<16xi32>
      tpu.vector_store %arg16[%swap3A_653], %swap3A_656 {strides = array<i32>} : memref<128xi32, #tpu.memory_space<vmem>>, vector<16xi32>,
      %sub3A_657 = arith.subi %select_n3A_563, %select_n3A : i32
      %mul3A_658 = arith.constant 128 : i32
      %mul3A_659 = arith.muli %sub3A_657, %mul3A_658 : i32
      %add3A_660 = arith.constant 0 : i32
      %add3A_661 = arith.addi %mul3A_659, %add3A_660 : i32
      %get3A_662 = arith.index_cast %add3A_661 : i32 to index
      %get3A_663 = tpu.vector_load %arg7[%get3A_662] {strides = array<i32>} : memref<896xf32, #tpu.memory_space<vmem>>, vector<16xf32>,
      %get3A_664 = vector.shape_cast %get3A_663 : vector<16xf32> to vector<16xf32>
      %add3A_665 = arith.constant 16 : i32
      %add3A_666 = arith.addi %mul3A_659, %add3A_665 : i32
      %get3A_667 = arith.index_cast %add3A_666 : i32 to index
      %get3A_668 = tpu.vector_load %arg7[%get3A_667] {strides = array<i32>} : memref<896xf32, #tpu.memory_space<vmem>>, vector<16xf32>,
      %get3A_669 = vector.shape_cast %get3A_668 : vector<16xf32> to vector<16xf32>
      %add3A_670 = arith.constant 32 : i32
      %add3A_671 = arith.addi %mul3A_659, %add3A_670 : i32
      %get3A_672 = arith.index_cast %add3A_671 : i32 to index
      %get3A_673 = tpu.vector_load %arg7[%get3A_672] {strides = array<i32>} : memref<896xf32, #tpu.memory_space<vmem>>, vector<16xf32>,
      %get3A_674 = vector.shape_cast %get3A_673 : vector<16xf32> to vector<16xf32>
      %add3A_675 = arith.constant 48 : i32
      %add3A_676 = arith.addi %mul3A_659, %add3A_675 : i32
      %get3A_677 = arith.index_cast %add3A_676 : i32 to index
      %get3A_678 = tpu.vector_load %arg7[%get3A_677] {strides = array<i32>} : memref<896xf32, #tpu.memory_space<vmem>>, vector<16xf32>,
      %get3A_679 = vector.shape_cast %get3A_678 : vector<16xf32> to vector<16xf32>
      %add3A_680 = arith.constant 64 : i32
      %add3A_681 = arith.addi %mul3A_659, %add3A_680 : i32
      %get3A_682 = arith.index_cast %add3A_681 : i32 to index
      %get3A_683 = tpu.vector_load %arg7[%get3A_682] {strides = array<i32>} : memref<896xf32, #tpu.memory_space<vmem>>, vector<16xf32>,
      %get3A_684 = vector.shape_cast %get3A_683 : vector<16xf32> to vector<16xf32>
      %add3A_685 = arith.constant 80 : i32
      %add3A_686 = arith.addi %mul3A_659, %add3A_685 : i32
      %get3A_687 = arith.index_cast %add3A_686 : i32 to index
      %get3A_688 = tpu.vector_load %arg7[%get3A_687] {strides = array<i32>} : memref<896xf32, #tpu.memory_space<vmem>>, vector<16xf32>,
      %get3A_689 = vector.shape_cast %get3A_688 : vector<16xf32> to vector<16xf32>
      %add3A_690 = arith.constant 96 : i32
      %add3A_691 = arith.addi %mul3A_659, %add3A_690 : i32
      %get3A_692 = arith.index_cast %add3A_691 : i32 to index
      %get3A_693 = tpu.vector_load %arg7[%get3A_692] {strides = array<i32>} : memref<896xf32, #tpu.memory_space<vmem>>, vector<16xf32>,
      %get3A_694 = vector.shape_cast %get3A_693 : vector<16xf32> to vector<16xf32>
      %add3A_695 = arith.constant 112 : i32
      %add3A_696 = arith.addi %mul3A_659, %add3A_695 : i32
      %get3A_697 = arith.index_cast %add3A_696 : i32 to index
      %get3A_698 = tpu.vector_load %arg7[%get3A_697] {strides = array<i32>} : memref<896xf32, #tpu.memory_space<vmem>>, vector<16xf32>,
      %get3A_699 = vector.shape_cast %get3A_698 : vector<16xf32> to vector<16xf32>
      %scan3A_700 = arith.constant 0 : i32
      %scan3A_701 = arith.constant 0 : i32
      %scan3A_702 = arith.constant 128 : i32
      %scan3A_703 = arith.addi %scan3A_701, %scan3A_702 : i32
      %scan3A_704 = arith.constant 1 : i32
      scf.for %scan3A_1101 = %scan3A_701 to %scan3A_703 step %scan3A_704  : i32 {
        %swap3A_1102 = arith.index_cast %scan3A_1101 : i32 to index
        %swap3A_1103 = arith.constant 0 : index
        %swap3A_1104 = tpu.vector_load %arg11[%swap3A_1102, %swap3A_1103] {strides = array<i32>} : memref<128x128xf32, #tpu.memory_space<vmem>>, vector<1x16xf32>,
        %swap3A_1105 = vector.shape_cast %swap3A_1104 : vector<1x16xf32> to vector<16xf32>
        %swap3A_1106 = vector.shape_cast %get3A_664 : vector<16xf32> to vector<1x16xf32>
        tpu.vector_store %arg11[%swap3A_1102, %swap3A_1103], %swap3A_1106 {add = true, strides = array<i32>} : memref<128x128xf32, #tpu.memory_space<vmem>>, vector<1x16xf32>,
        %swap3A_1107 = arith.index_cast %scan3A_1101 : i32 to index
        %swap3A_1108 = arith.constant 16 : index
        %swap3A_1109 = tpu.vector_load %arg11[%swap3A_1107, %swap3A_1108] {strides = array<i32>} : memref<128x128xf32, #tpu.memory_space<vmem>>, vector<1x16xf32>,
        %swap3A_1110 = vector.shape_cast %swap3A_1109 : vector<1x16xf32> to vector<16xf32>
        %swap3A_1111 = vector.shape_cast %get3A_669 : vector<16xf32> to vector<1x16xf32>
        tpu.vector_store %arg11[%swap3A_1107, %swap3A_1108], %swap3A_1111 {add = true, strides = array<i32>} : memref<128x128xf32, #tpu.memory_space<vmem>>, vector<1x16xf32>,
        %swap3A_1112 = arith.index_cast %scan3A_1101 : i32 to index
        %swap3A_1113 = arith.constant 32 : index
        %swap3A_1114 = tpu.vector_load %arg11[%swap3A_1112, %swap3A_1113] {strides = array<i32>} : memref<128x128xf32, #tpu.memory_space<vmem>>, vector<1x16xf32>,
        %swap3A_1115 = vector.shape_cast %swap3A_1114 : vector<1x16xf32> to vector<16xf32>
        %swap3A_1116 = vector.shape_cast %get3A_674 : vector<16xf32> to vector<1x16xf32>
        tpu.vector_store %arg11[%swap3A_1112, %swap3A_1113], %swap3A_1116 {add = true, strides = array<i32>} : memref<128x128xf32, #tpu.memory_space<vmem>>, vector<1x16xf32>,
        %swap3A_1117 = arith.index_cast %scan3A_1101 : i32 to index
        %swap3A_1118 = arith.constant 48 : index
        %swap3A_1119 = tpu.vector_load %arg11[%swap3A_1117, %swap3A_1118] {strides = array<i32>} : memref<128x128xf32, #tpu.memory_space<vmem>>, vector<1x16xf32>,
        %swap3A_1120 = vector.shape_cast %swap3A_1119 : vector<1x16xf32> to vector<16xf32>
        %swap3A_1121 = vector.shape_cast %get3A_679 : vector<16xf32> to vector<1x16xf32>
        tpu.vector_store %arg11[%swap3A_1117, %swap3A_1118], %swap3A_1121 {add = true, strides = array<i32>} : memref<128x128xf32, #tpu.memory_space<vmem>>, vector<1x16xf32>,
        %swap3A_1122 = arith.index_cast %scan3A_1101 : i32 to index
        %swap3A_1123 = arith.constant 64 : index
        %swap3A_1124 = tpu.vector_load %arg11[%swap3A_1122, %swap3A_1123] {strides = array<i32>} : memref<128x128xf32, #tpu.memory_space<vmem>>, vector<1x16xf32>,
        %swap3A_1125 = vector.shape_cast %swap3A_1124 : vector<1x16xf32> to vector<16xf32>
        %swap3A_1126 = vector.shape_cast %get3A_684 : vector<16xf32> to vector<1x16xf32>
        tpu.vector_store %arg11[%swap3A_1122, %swap3A_1123], %swap3A_1126 {add = true, strides = array<i32>} : memref<128x128xf32, #tpu.memory_space<vmem>>, vector<1x16xf32>,
        %swap3A_1127 = arith.index_cast %scan3A_1101 : i32 to index
        %swap3A_1128 = arith.constant 80 : index
        %swap3A_1129 = tpu.vector_load %arg11[%swap3A_1127, %swap3A_1128] {strides = array<i32>} : memref<128x128xf32, #tpu.memory_space<vmem>>, vector<1x16xf32>,
        %swap3A_1130 = vector.shape_cast %swap3A_1129 : vector<1x16xf32> to vector<16xf32>
        %swap3A_1131 = vector.shape_cast %get3A_689 : vector<16xf32> to vector<1x16xf32>
        tpu.vector_store %arg11[%swap3A_1127, %swap3A_1128], %swap3A_1131 {add = true, strides = array<i32>} : memref<128x128xf32, #tpu.memory_space<vmem>>, vector<1x16xf32>,
        %swap3A_1132 = arith.index_cast %scan3A_1101 : i32 to index
        %swap3A_1133 = arith.constant 96 : index
        %swap3A_1134 = tpu.vector_load %arg11[%swap3A_1132, %swap3A_1133] {strides = array<i32>} : memref<128x128xf32, #tpu.memory_space<vmem>>, vector<1x16xf32>,
        %swap3A_1135 = vector.shape_cast %swap3A_1134 : vector<1x16xf32> to vector<16xf32>
        %swap3A_1136 = vector.shape_cast %get3A_694 : vector<16xf32> to vector<1x16xf32>
        tpu.vector_store %arg11[%swap3A_1132, %swap3A_1133], %swap3A_1136 {add = true, strides = array<i32>} : memref<128x128xf32, #tpu.memory_space<vmem>>, vector<1x16xf32>,
        %swap3A_1137 = arith.index_cast %scan3A_1101 : i32 to index
        %swap3A_1138 = arith.constant 112 : index
        %swap3A_1139 = tpu.vector_load %arg11[%swap3A_1137, %swap3A_1138] {strides = array<i32>} : memref<128x128xf32, #tpu.memory_space<vmem>>, vector<1x16xf32>,
        %swap3A_1140 = vector.shape_cast %swap3A_1139 : vector<1x16xf32> to vector<16xf32>
        %swap3A_1141 = vector.shape_cast %get3A_699 : vector<16xf32> to vector<1x16xf32>
        tpu.vector_store %arg11[%swap3A_1137, %swap3A_1138], %swap3A_1141 {add = true, strides = array<i32>} : memref<128x128xf32, #tpu.memory_space<vmem>>, vector<1x16xf32>,
      }
      %scan3A_705 = arith.constant 128 : i32
      %dma_start3A_706 = arith.constant 0 : i32
      %dma_start3A_707 = arith.constant 0 : i32
      %dma_start3A_708 = tpu.memref_slice %arg5[%dma_start3A_706, %dma_start3A_707] : memref<204800x128xf32, #tpu.memory_space<hbm>> -> memref<204800x128xf32, #tpu.memory_space<hbm>>
      tpu.enqueue_indirect_dma source(%arg11 : memref<128x128xf32, #tpu.memory_space<vmem>>) target(%dma_start3A_708 : memref<204800x128xf32, #tpu.memory_space<hbm>>) offsets(%arg16 : memref<128xi32, #tpu.memory_space<vmem>>) semaphore(%arg26 : memref<!tpu.dma_semaphore, #tpu.memory_space<semaphore_mem>>)
      %mul3A_709 = arith.constant 5 : i32
      %mul3A_710 = arith.muli %mul3A_709, %scan3A_126 : i32
      %add3A_711 = arith.constant 3 : i32
      %add3A_712 = arith.addi %mul3A_710, %add3A_711 : i32
      %add3A_713 = arith.constant 3 : i32
      %add3A_714 = arith.addi %add3A_712, %add3A_713 : i32
      %sub3A_715 = arith.constant 5 : i32
      %sub3A_716 = arith.subi %add3A_714, %sub3A_715 : i32
      %ge3A_717 = arith.constant 0 : i32
      %ge3A_718 = arith.cmpi sge, %sub3A_716, %ge3A_717 : i32
      %convert_element_type3A_719 = arith.extui %ge3A_718 : i1 to i32
      %cond3A_720 = arith.constant 0 : i32
      %cond3A_721 = arith.cmpi ne, %convert_element_type3A_719, %cond3A_720 : i32
      scf.if %cond3A_721 {
        %add3A_1101 = arith.constant 3 : i32
        %add3A_1102 = arith.addi %add3A_712, %add3A_1101 : i32
        %sub3A_1103 = arith.constant 5 : i32
        %sub3A_1104 = arith.subi %add3A_1102, %sub3A_1103 : i32
        %dma_wait3A_1105 = arith.constant 0 : i32
        %dma_wait3A_1106 = arith.constant 0 : i32
        %dma_wait3A_1107 = tpu.memref_slice %arg5[%dma_wait3A_1105, %dma_wait3A_1106] : memref<204800x128xf32, #tpu.memory_space<hbm>> -> memref<204800x128xf32, #tpu.memory_space<hbm>>
        tpu.wait_indirect_dma semaphore(%arg25 : memref<!tpu.dma_semaphore, #tpu.memory_space<semaphore_mem>>) src(%arg10 : memref<128x128xf32, #tpu.memory_space<vmem>>) dst(%dma_wait3A_1107 : memref<204800x128xf32, #tpu.memory_space<hbm>>)
      } else {
      }
      %add3A_722 = arith.constant 3 : i32
      %add3A_723 = arith.addi %add3A_712, %add3A_722 : i32
      %lt3A_724 = arith.constant 50 : i32
      %lt3A_725 = arith.cmpi slt, %add3A_723, %lt3A_724 : i32
      %convert_element_type3A_726 = arith.extui %lt3A_725 : i1 to i32
      %cond3A_727 = arith.constant 0 : i32
      %cond3A_728 = arith.cmpi ne, %convert_element_type3A_726, %cond3A_727 : i32
      scf.if %cond3A_728 {
        %add3A_1101 = arith.constant 3 : i32
        %add3A_1102 = arith.addi %add3A_712, %add3A_1101 : i32
        %mul3A_1103 = arith.constant 128 : i32
        %mul3A_1104 = arith.muli %add3A_1102, %mul3A_1103 : i32
        %dma_start3A_1105 = tpu.memref_slice %arg6[%mul3A_1104] : memref<6400xi32, #tpu.memory_space<vmem>> -> memref<128xi32, #tpu.memory_space<vmem>>
        %dma_start3A_1106 = arith.constant 0 : i32
        %dma_start3A_1107 = arith.constant 0 : i32
        %dma_start3A_1108 = tpu.memref_slice %arg3[%dma_start3A_1106, %dma_start3A_1107] : memref<100000x128xf32, #tpu.memory_space<hbm>> -> memref<100000x128xf32, #tpu.memory_space<hbm>>
        tpu.enqueue_indirect_dma source(%dma_start3A_1108 : memref<100000x128xf32, #tpu.memory_space<hbm>>) target(%arg10 : memref<128x128xf32, #tpu.memory_space<vmem>>) offsets(%dma_start3A_1105 : memref<128xi32, #tpu.memory_space<vmem>>) semaphore(%arg20 : memref<!tpu.dma_semaphore, #tpu.memory_space<semaphore_mem>>)
      } else {
      }
      %mul3A_729 = arith.constant 128 : i32
      %mul3A_730 = arith.muli %add3A_712, %mul3A_729 : i32
      %dma_wait3A_731 = tpu.memref_slice %arg6[%mul3A_730] : memref<6400xi32, #tpu.memory_space<vmem>> -> memref<128xi32, #tpu.memory_space<vmem>>
      %dma_wait3A_732 = arith.constant 0 : i32
      %dma_wait3A_733 = arith.constant 0 : i32
      %dma_wait3A_734 = tpu.memref_slice %arg3[%dma_wait3A_732, %dma_wait3A_733] : memref<100000x128xf32, #tpu.memory_space<hbm>> -> memref<100000x128xf32, #tpu.memory_space<hbm>>
      tpu.wait_indirect_dma semaphore(%arg22 : memref<!tpu.dma_semaphore, #tpu.memory_space<semaphore_mem>>) src(%dma_wait3A_734 : memref<100000x128xf32, #tpu.memory_space<hbm>>) dst(%arg12 : memref<128x128xf32, #tpu.memory_space<vmem>>)
      %add3A_735 = arith.addi %mul3A_2, %add3A_712 : i32
      %jit3A_736 = arith.constant 8 : i32
      %div3A_737 = arith.divsi %add3A_735, %jit3A_736 : i32
      %sign3A_738 = arith.constant 0 : i32
      %sign3A_739 = arith.cmpi sgt, %add3A_735, %sign3A_738 : i32
      %sign3A_740 = arith.extui %sign3A_739 : i1 to i32
      %sign3A_741 = arith.constant 0 : i32
      %sign3A_742 = arith.cmpi slt, %add3A_735, %sign3A_741 : i32
      %sign3A_743 = arith.extui %sign3A_742 : i1 to i32
      %sign3A_744 = arith.subi %sign3A_740, %sign3A_743 : i32
      %sign3A_745 = arith.constant 0 : i32
      %sign3A_746 = arith.cmpi sgt, %jit3A_736, %sign3A_745 : i32
      %sign3A_747 = arith.extui %sign3A_746 : i1 to i32
      %sign3A_748 = arith.constant 0 : i32
      %sign3A_749 = arith.cmpi slt, %jit3A_736, %sign3A_748 : i32
      %sign3A_750 = arith.extui %sign3A_749 : i1 to i32
      %sign3A_751 = arith.subi %sign3A_747, %sign3A_750 : i32
      %ne3A_752 = arith.cmpi ne, %sign3A_744, %sign3A_751 : i32
      %rem3A_753 = arith.remsi %add3A_735, %jit3A_736 : i32
      %ne3A_754 = arith.constant 0 : i32
      %ne3A_755 = arith.cmpi ne, %rem3A_753, %ne3A_754 : i32
      %and3A_756 = arith.andi %ne3A_752, %ne3A_755 : i1
      %sub3A_757 = arith.constant 1 : i32
      %sub3A_758 = arith.subi %div3A_737, %sub3A_757 : i32
      %select_n3A_759 = arith.select %and3A_756, %sub3A_758, %div3A_737 : i32
      %jit3A_760 = arith.constant 8 : i32
      %eq3A_761 = arith.constant 0 : i32
      %eq3A_762 = arith.cmpi eq, %jit3A_760, %eq3A_761 : i32
      %jit3A_763 = arith.constant 1 : i32
      %select_n3A_764 = arith.select %eq3A_762, %jit3A_763, %jit3A_760 : i32
      %rem3A_765 = arith.remsi %add3A_735, %select_n3A_764 : i32
      %ne3A_766 = arith.constant 0 : i32
      %ne3A_767 = arith.cmpi ne, %rem3A_765, %ne3A_766 : i32
      %lt3A_768 = arith.constant 0 : i32
      %lt3A_769 = arith.cmpi slt, %rem3A_765, %lt3A_768 : i32
      %lt3A_770 = arith.constant 0 : i32
      %lt3A_771 = arith.cmpi slt, %select_n3A_764, %lt3A_770 : i32
      %ne3A_772 = arith.xori %lt3A_769, %lt3A_771 : i1
      %and3A_773 = arith.andi %ne3A_772, %ne3A_767 : i1
      %add3A_774 = arith.addi %rem3A_765, %select_n3A_764 : i32
      %select_n3A_775 = arith.select %and3A_773, %add3A_774, %rem3A_765 : i32
      %mul3A_776 = arith.constant 128 : i32
      %mul3A_777 = arith.muli %select_n3A_775, %mul3A_776 : i32
      %mul3A_778 = arith.constant 200 : i32
      %mul3A_779 = arith.muli %mul3A_777, %mul3A_778 : i32
      %add3A_780 = arith.addi %mul3A_779, %select_n3A_759 : i32
      %get3A_781 = arith.constant 0 : index
      %get3A_782 = tpu.vector_load %arg8[%get3A_781] {strides = array<i32>} : memref<128xi32, #tpu.memory_space<vmem>>, vector<16xi32>,
      %get3A_783 = vector.shape_cast %get3A_782 : vector<16xi32> to vector<16xi32>
      %add3A_784 = vector.broadcast %add3A_780 : i32 to vector<16xi32>
      %add3A_785 = arith.addi %get3A_783, %add3A_784 : vector<16xi32>
      %swap3A_786 = arith.constant 0 : index
      %swap3A_787 = tpu.vector_load %arg17[%swap3A_786] {strides = array<i32>} : memref<128xi32, #tpu.memory_space<vmem>>, vector<16xi32>,
      %swap3A_788 = vector.shape_cast %swap3A_787 : vector<16xi32> to vector<16xi32>
      %swap3A_789 = vector.shape_cast %add3A_785 : vector<16xi32> to vector<16xi32>
      tpu.vector_store %arg17[%swap3A_786], %swap3A_789 {strides = array<i32>} : memref<128xi32, #tpu.memory_space<vmem>>, vector<16xi32>,
      %get3A_790 = arith.constant 16 : index
      %get3A_791 = tpu.vector_load %arg8[%get3A_790] {strides = array<i32>} : memref<128xi32, #tpu.memory_space<vmem>>, vector<16xi32>,
      %get3A_792 = vector.shape_cast %get3A_791 : vector<16xi32> to vector<16xi32>
      %add3A_793 = vector.broadcast %add3A_780 : i32 to vector<16xi32>
      %add3A_794 = arith.addi %get3A_792, %add3A_793 : vector<16xi32>
      %swap3A_795 = arith.constant 16 : index
      %swap3A_796 = tpu.vector_load %arg17[%swap3A_795] {strides = array<i32>} : memref<128xi32, #tpu.memory_space<vmem>>, vector<16xi32>,
      %swap3A_797 = vector.shape_cast %swap3A_796 : vector<16xi32> to vector<16xi32>
      %swap3A_798 = vector.shape_cast %add3A_794 : vector<16xi32> to vector<16xi32>
      tpu.vector_store %arg17[%swap3A_795], %swap3A_798 {strides = array<i32>} : memref<128xi32, #tpu.memory_space<vmem>>, vector<16xi32>,
      %get3A_799 = arith.constant 32 : index
      %get3A_800 = tpu.vector_load %arg8[%get3A_799] {strides = array<i32>} : memref<128xi32, #tpu.memory_space<vmem>>, vector<16xi32>,
      %get3A_801 = vector.shape_cast %get3A_800 : vector<16xi32> to vector<16xi32>
      %add3A_802 = vector.broadcast %add3A_780 : i32 to vector<16xi32>
      %add3A_803 = arith.addi %get3A_801, %add3A_802 : vector<16xi32>
      %swap3A_804 = arith.constant 32 : index
      %swap3A_805 = tpu.vector_load %arg17[%swap3A_804] {strides = array<i32>} : memref<128xi32, #tpu.memory_space<vmem>>, vector<16xi32>,
      %swap3A_806 = vector.shape_cast %swap3A_805 : vector<16xi32> to vector<16xi32>
      %swap3A_807 = vector.shape_cast %add3A_803 : vector<16xi32> to vector<16xi32>
      tpu.vector_store %arg17[%swap3A_804], %swap3A_807 {strides = array<i32>} : memref<128xi32, #tpu.memory_space<vmem>>, vector<16xi32>,
      %get3A_808 = arith.constant 48 : index
      %get3A_809 = tpu.vector_load %arg8[%get3A_808] {strides = array<i32>} : memref<128xi32, #tpu.memory_space<vmem>>, vector<16xi32>,
      %get3A_810 = vector.shape_cast %get3A_809 : vector<16xi32> to vector<16xi32>
      %add3A_811 = vector.broadcast %add3A_780 : i32 to vector<16xi32>
      %add3A_812 = arith.addi %get3A_810, %add3A_811 : vector<16xi32>
      %swap3A_813 = arith.constant 48 : index
      %swap3A_814 = tpu.vector_load %arg17[%swap3A_813] {strides = array<i32>} : memref<128xi32, #tpu.memory_space<vmem>>, vector<16xi32>,
      %swap3A_815 = vector.shape_cast %swap3A_814 : vector<16xi32> to vector<16xi32>
      %swap3A_816 = vector.shape_cast %add3A_812 : vector<16xi32> to vector<16xi32>
      tpu.vector_store %arg17[%swap3A_813], %swap3A_816 {strides = array<i32>} : memref<128xi32, #tpu.memory_space<vmem>>, vector<16xi32>,
      %get3A_817 = arith.constant 64 : index
      %get3A_818 = tpu.vector_load %arg8[%get3A_817] {strides = array<i32>} : memref<128xi32, #tpu.memory_space<vmem>>, vector<16xi32>,
      %get3A_819 = vector.shape_cast %get3A_818 : vector<16xi32> to vector<16xi32>
      %add3A_820 = vector.broadcast %add3A_780 : i32 to vector<16xi32>
      %add3A_821 = arith.addi %get3A_819, %add3A_820 : vector<16xi32>
      %swap3A_822 = arith.constant 64 : index
      %swap3A_823 = tpu.vector_load %arg17[%swap3A_822] {strides = array<i32>} : memref<128xi32, #tpu.memory_space<vmem>>, vector<16xi32>,
      %swap3A_824 = vector.shape_cast %swap3A_823 : vector<16xi32> to vector<16xi32>
      %swap3A_825 = vector.shape_cast %add3A_821 : vector<16xi32> to vector<16xi32>
      tpu.vector_store %arg17[%swap3A_822], %swap3A_825 {strides = array<i32>} : memref<128xi32, #tpu.memory_space<vmem>>, vector<16xi32>,
      %get3A_826 = arith.constant 80 : index
      %get3A_827 = tpu.vector_load %arg8[%get3A_826] {strides = array<i32>} : memref<128xi32, #tpu.memory_space<vmem>>, vector<16xi32>,
      %get3A_828 = vector.shape_cast %get3A_827 : vector<16xi32> to vector<16xi32>
      %add3A_829 = vector.broadcast %add3A_780 : i32 to vector<16xi32>
      %add3A_830 = arith.addi %get3A_828, %add3A_829 : vector<16xi32>
      %swap3A_831 = arith.constant 80 : index
      %swap3A_832 = tpu.vector_load %arg17[%swap3A_831] {strides = array<i32>} : memref<128xi32, #tpu.memory_space<vmem>>, vector<16xi32>,
      %swap3A_833 = vector.shape_cast %swap3A_832 : vector<16xi32> to vector<16xi32>
      %swap3A_834 = vector.shape_cast %add3A_830 : vector<16xi32> to vector<16xi32>
      tpu.vector_store %arg17[%swap3A_831], %swap3A_834 {strides = array<i32>} : memref<128xi32, #tpu.memory_space<vmem>>, vector<16xi32>,
      %get3A_835 = arith.constant 96 : index
      %get3A_836 = tpu.vector_load %arg8[%get3A_835] {strides = array<i32>} : memref<128xi32, #tpu.memory_space<vmem>>, vector<16xi32>,
      %get3A_837 = vector.shape_cast %get3A_836 : vector<16xi32> to vector<16xi32>
      %add3A_838 = vector.broadcast %add3A_780 : i32 to vector<16xi32>
      %add3A_839 = arith.addi %get3A_837, %add3A_838 : vector<16xi32>
      %swap3A_840 = arith.constant 96 : index
      %swap3A_841 = tpu.vector_load %arg17[%swap3A_840] {strides = array<i32>} : memref<128xi32, #tpu.memory_space<vmem>>, vector<16xi32>,
      %swap3A_842 = vector.shape_cast %swap3A_841 : vector<16xi32> to vector<16xi32>
      %swap3A_843 = vector.shape_cast %add3A_839 : vector<16xi32> to vector<16xi32>
      tpu.vector_store %arg17[%swap3A_840], %swap3A_843 {strides = array<i32>} : memref<128xi32, #tpu.memory_space<vmem>>, vector<16xi32>,
      %get3A_844 = arith.constant 112 : index
      %get3A_845 = tpu.vector_load %arg8[%get3A_844] {strides = array<i32>} : memref<128xi32, #tpu.memory_space<vmem>>, vector<16xi32>,
      %get3A_846 = vector.shape_cast %get3A_845 : vector<16xi32> to vector<16xi32>
      %add3A_847 = vector.broadcast %add3A_780 : i32 to vector<16xi32>
      %add3A_848 = arith.addi %get3A_846, %add3A_847 : vector<16xi32>
      %swap3A_849 = arith.constant 112 : index
      %swap3A_850 = tpu.vector_load %arg17[%swap3A_849] {strides = array<i32>} : memref<128xi32, #tpu.memory_space<vmem>>, vector<16xi32>,
      %swap3A_851 = vector.shape_cast %swap3A_850 : vector<16xi32> to vector<16xi32>
      %swap3A_852 = vector.shape_cast %add3A_848 : vector<16xi32> to vector<16xi32>
      tpu.vector_store %arg17[%swap3A_849], %swap3A_852 {strides = array<i32>} : memref<128xi32, #tpu.memory_space<vmem>>, vector<16xi32>,
      %sub3A_853 = arith.subi %select_n3A_759, %select_n3A : i32
      %mul3A_854 = arith.constant 128 : i32
      %mul3A_855 = arith.muli %sub3A_853, %mul3A_854 : i32
      %add3A_856 = arith.constant 0 : i32
      %add3A_857 = arith.addi %mul3A_855, %add3A_856 : i32
      %get3A_858 = arith.index_cast %add3A_857 : i32 to index
      %get3A_859 = tpu.vector_load %arg7[%get3A_858] {strides = array<i32>} : memref<896xf32, #tpu.memory_space<vmem>>, vector<16xf32>,
      %get3A_860 = vector.shape_cast %get3A_859 : vector<16xf32> to vector<16xf32>
      %add3A_861 = arith.constant 16 : i32
      %add3A_862 = arith.addi %mul3A_855, %add3A_861 : i32
      %get3A_863 = arith.index_cast %add3A_862 : i32 to index
      %get3A_864 = tpu.vector_load %arg7[%get3A_863] {strides = array<i32>} : memref<896xf32, #tpu.memory_space<vmem>>, vector<16xf32>,
      %get3A_865 = vector.shape_cast %get3A_864 : vector<16xf32> to vector<16xf32>
      %add3A_866 = arith.constant 32 : i32
      %add3A_867 = arith.addi %mul3A_855, %add3A_866 : i32
      %get3A_868 = arith.index_cast %add3A_867 : i32 to index
      %get3A_869 = tpu.vector_load %arg7[%get3A_868] {strides = array<i32>} : memref<896xf32, #tpu.memory_space<vmem>>, vector<16xf32>,
      %get3A_870 = vector.shape_cast %get3A_869 : vector<16xf32> to vector<16xf32>
      %add3A_871 = arith.constant 48 : i32
      %add3A_872 = arith.addi %mul3A_855, %add3A_871 : i32
      %get3A_873 = arith.index_cast %add3A_872 : i32 to index
      %get3A_874 = tpu.vector_load %arg7[%get3A_873] {strides = array<i32>} : memref<896xf32, #tpu.memory_space<vmem>>, vector<16xf32>,
      %get3A_875 = vector.shape_cast %get3A_874 : vector<16xf32> to vector<16xf32>
      %add3A_876 = arith.constant 64 : i32
      %add3A_877 = arith.addi %mul3A_855, %add3A_876 : i32
      %get3A_878 = arith.index_cast %add3A_877 : i32 to index
      %get3A_879 = tpu.vector_load %arg7[%get3A_878] {strides = array<i32>} : memref<896xf32, #tpu.memory_space<vmem>>, vector<16xf32>,
      %get3A_880 = vector.shape_cast %get3A_879 : vector<16xf32> to vector<16xf32>
      %add3A_881 = arith.constant 80 : i32
      %add3A_882 = arith.addi %mul3A_855, %add3A_881 : i32
      %get3A_883 = arith.index_cast %add3A_882 : i32 to index
      %get3A_884 = tpu.vector_load %arg7[%get3A_883] {strides = array<i32>} : memref<896xf32, #tpu.memory_space<vmem>>, vector<16xf32>,
      %get3A_885 = vector.shape_cast %get3A_884 : vector<16xf32> to vector<16xf32>
      %add3A_886 = arith.constant 96 : i32
      %add3A_887 = arith.addi %mul3A_855, %add3A_886 : i32
      %get3A_888 = arith.index_cast %add3A_887 : i32 to index
      %get3A_889 = tpu.vector_load %arg7[%get3A_888] {strides = array<i32>} : memref<896xf32, #tpu.memory_space<vmem>>, vector<16xf32>,
      %get3A_890 = vector.shape_cast %get3A_889 : vector<16xf32> to vector<16xf32>
      %add3A_891 = arith.constant 112 : i32
      %add3A_892 = arith.addi %mul3A_855, %add3A_891 : i32
      %get3A_893 = arith.index_cast %add3A_892 : i32 to index
      %get3A_894 = tpu.vector_load %arg7[%get3A_893] {strides = array<i32>} : memref<896xf32, #tpu.memory_space<vmem>>, vector<16xf32>,
      %get3A_895 = vector.shape_cast %get3A_894 : vector<16xf32> to vector<16xf32>
      %scan3A_896 = arith.constant 0 : i32
      %scan3A_897 = arith.constant 0 : i32
      %scan3A_898 = arith.constant 128 : i32
      %scan3A_899 = arith.addi %scan3A_897, %scan3A_898 : i32
      %scan3A_900 = arith.constant 1 : i32
      scf.for %scan3A_1101 = %scan3A_897 to %scan3A_899 step %scan3A_900  : i32 {
        %swap3A_1102 = arith.index_cast %scan3A_1101 : i32 to index
        %swap3A_1103 = arith.constant 0 : index
        %swap3A_1104 = tpu.vector_load %arg12[%swap3A_1102, %swap3A_1103] {strides = array<i32>} : memref<128x128xf32, #tpu.memory_space<vmem>>, vector<1x16xf32>,
        %swap3A_1105 = vector.shape_cast %swap3A_1104 : vector<1x16xf32> to vector<16xf32>
        %swap3A_1106 = vector.shape_cast %get3A_860 : vector<16xf32> to vector<1x16xf32>
        tpu.vector_store %arg12[%swap3A_1102, %swap3A_1103], %swap3A_1106 {add = true, strides = array<i32>} : memref<128x128xf32, #tpu.memory_space<vmem>>, vector<1x16xf32>,
        %swap3A_1107 = arith.index_cast %scan3A_1101 : i32 to index
        %swap3A_1108 = arith.constant 16 : index
        %swap3A_1109 = tpu.vector_load %arg12[%swap3A_1107, %swap3A_1108] {strides = array<i32>} : memref<128x128xf32, #tpu.memory_space<vmem>>, vector<1x16xf32>,
        %swap3A_1110 = vector.shape_cast %swap3A_1109 : vector<1x16xf32> to vector<16xf32>
        %swap3A_1111 = vector.shape_cast %get3A_865 : vector<16xf32> to vector<1x16xf32>
        tpu.vector_store %arg12[%swap3A_1107, %swap3A_1108], %swap3A_1111 {add = true, strides = array<i32>} : memref<128x128xf32, #tpu.memory_space<vmem>>, vector<1x16xf32>,
        %swap3A_1112 = arith.index_cast %scan3A_1101 : i32 to index
        %swap3A_1113 = arith.constant 32 : index
        %swap3A_1114 = tpu.vector_load %arg12[%swap3A_1112, %swap3A_1113] {strides = array<i32>} : memref<128x128xf32, #tpu.memory_space<vmem>>, vector<1x16xf32>,
        %swap3A_1115 = vector.shape_cast %swap3A_1114 : vector<1x16xf32> to vector<16xf32>
        %swap3A_1116 = vector.shape_cast %get3A_870 : vector<16xf32> to vector<1x16xf32>
        tpu.vector_store %arg12[%swap3A_1112, %swap3A_1113], %swap3A_1116 {add = true, strides = array<i32>} : memref<128x128xf32, #tpu.memory_space<vmem>>, vector<1x16xf32>,
        %swap3A_1117 = arith.index_cast %scan3A_1101 : i32 to index
        %swap3A_1118 = arith.constant 48 : index
        %swap3A_1119 = tpu.vector_load %arg12[%swap3A_1117, %swap3A_1118] {strides = array<i32>} : memref<128x128xf32, #tpu.memory_space<vmem>>, vector<1x16xf32>,
        %swap3A_1120 = vector.shape_cast %swap3A_1119 : vector<1x16xf32> to vector<16xf32>
        %swap3A_1121 = vector.shape_cast %get3A_875 : vector<16xf32> to vector<1x16xf32>
        tpu.vector_store %arg12[%swap3A_1117, %swap3A_1118], %swap3A_1121 {add = true, strides = array<i32>} : memref<128x128xf32, #tpu.memory_space<vmem>>, vector<1x16xf32>,
        %swap3A_1122 = arith.index_cast %scan3A_1101 : i32 to index
        %swap3A_1123 = arith.constant 64 : index
        %swap3A_1124 = tpu.vector_load %arg12[%swap3A_1122, %swap3A_1123] {strides = array<i32>} : memref<128x128xf32, #tpu.memory_space<vmem>>, vector<1x16xf32>,
        %swap3A_1125 = vector.shape_cast %swap3A_1124 : vector<1x16xf32> to vector<16xf32>
        %swap3A_1126 = vector.shape_cast %get3A_880 : vector<16xf32> to vector<1x16xf32>
        tpu.vector_store %arg12[%swap3A_1122, %swap3A_1123], %swap3A_1126 {add = true, strides = array<i32>} : memref<128x128xf32, #tpu.memory_space<vmem>>, vector<1x16xf32>,
        %swap3A_1127 = arith.index_cast %scan3A_1101 : i32 to index
        %swap3A_1128 = arith.constant 80 : index
        %swap3A_1129 = tpu.vector_load %arg12[%swap3A_1127, %swap3A_1128] {strides = array<i32>} : memref<128x128xf32, #tpu.memory_space<vmem>>, vector<1x16xf32>,
        %swap3A_1130 = vector.shape_cast %swap3A_1129 : vector<1x16xf32> to vector<16xf32>
        %swap3A_1131 = vector.shape_cast %get3A_885 : vector<16xf32> to vector<1x16xf32>
        tpu.vector_store %arg12[%swap3A_1127, %swap3A_1128], %swap3A_1131 {add = true, strides = array<i32>} : memref<128x128xf32, #tpu.memory_space<vmem>>, vector<1x16xf32>,
        %swap3A_1132 = arith.index_cast %scan3A_1101 : i32 to index
        %swap3A_1133 = arith.constant 96 : index
        %swap3A_1134 = tpu.vector_load %arg12[%swap3A_1132, %swap3A_1133] {strides = array<i32>} : memref<128x128xf32, #tpu.memory_space<vmem>>, vector<1x16xf32>,
        %swap3A_1135 = vector.shape_cast %swap3A_1134 : vector<1x16xf32> to vector<16xf32>
        %swap3A_1136 = vector.shape_cast %get3A_890 : vector<16xf32> to vector<1x16xf32>
        tpu.vector_store %arg12[%swap3A_1132, %swap3A_1133], %swap3A_1136 {add = true, strides = array<i32>} : memref<128x128xf32, #tpu.memory_space<vmem>>, vector<1x16xf32>,
        %swap3A_1137 = arith.index_cast %scan3A_1101 : i32 to index
        %swap3A_1138 = arith.constant 112 : index
        %swap3A_1139 = tpu.vector_load %arg12[%swap3A_1137, %swap3A_1138] {strides = array<i32>} : memref<128x128xf32, #tpu.memory_space<vmem>>, vector<1x16xf32>,
        %swap3A_1140 = vector.shape_cast %swap3A_1139 : vector<1x16xf32> to vector<16xf32>
        %swap3A_1141 = vector.shape_cast %get3A_895 : vector<16xf32> to vector<1x16xf32>
        tpu.vector_store %arg12[%swap3A_1137, %swap3A_1138], %swap3A_1141 {add = true, strides = array<i32>} : memref<128x128xf32, #tpu.memory_space<vmem>>, vector<1x16xf32>,
      }
      %scan3A_901 = arith.constant 128 : i32
      %dma_start3A_902 = arith.constant 0 : i32
      %dma_start3A_903 = arith.constant 0 : i32
      %dma_start3A_904 = tpu.memref_slice %arg5[%dma_start3A_902, %dma_start3A_903] : memref<204800x128xf32, #tpu.memory_space<hbm>> -> memref<204800x128xf32, #tpu.memory_space<hbm>>
      tpu.enqueue_indirect_dma source(%arg12 : memref<128x128xf32, #tpu.memory_space<vmem>>) target(%dma_start3A_904 : memref<204800x128xf32, #tpu.memory_space<hbm>>) offsets(%arg17 : memref<128xi32, #tpu.memory_space<vmem>>) semaphore(%arg27 : memref<!tpu.dma_semaphore, #tpu.memory_space<semaphore_mem>>)
      %mul3A_905 = arith.constant 5 : i32
      %mul3A_906 = arith.muli %mul3A_905, %scan3A_126 : i32
      %add3A_907 = arith.constant 4 : i32
      %add3A_908 = arith.addi %mul3A_906, %add3A_907 : i32
      %add3A_909 = arith.constant 3 : i32
      %add3A_910 = arith.addi %add3A_908, %add3A_909 : i32
      %sub3A_911 = arith.constant 5 : i32
      %sub3A_912 = arith.subi %add3A_910, %sub3A_911 : i32
      %ge3A_913 = arith.constant 0 : i32
      %ge3A_914 = arith.cmpi sge, %sub3A_912, %ge3A_913 : i32
      %convert_element_type3A_915 = arith.extui %ge3A_914 : i1 to i32
      %cond3A_916 = arith.constant 0 : i32
      %cond3A_917 = arith.cmpi ne, %convert_element_type3A_915, %cond3A_916 : i32
      scf.if %cond3A_917 {
        %add3A_1101 = arith.constant 3 : i32
        %add3A_1102 = arith.addi %add3A_908, %add3A_1101 : i32
        %sub3A_1103 = arith.constant 5 : i32
        %sub3A_1104 = arith.subi %add3A_1102, %sub3A_1103 : i32
        %dma_wait3A_1105 = arith.constant 0 : i32
        %dma_wait3A_1106 = arith.constant 0 : i32
        %dma_wait3A_1107 = tpu.memref_slice %arg5[%dma_wait3A_1105, %dma_wait3A_1106] : memref<204800x128xf32, #tpu.memory_space<hbm>> -> memref<204800x128xf32, #tpu.memory_space<hbm>>
        tpu.wait_indirect_dma semaphore(%arg26 : memref<!tpu.dma_semaphore, #tpu.memory_space<semaphore_mem>>) src(%arg11 : memref<128x128xf32, #tpu.memory_space<vmem>>) dst(%dma_wait3A_1107 : memref<204800x128xf32, #tpu.memory_space<hbm>>)
      } else {
      }
      %add3A_918 = arith.constant 3 : i32
      %add3A_919 = arith.addi %add3A_908, %add3A_918 : i32
      %lt3A_920 = arith.constant 50 : i32
      %lt3A_921 = arith.cmpi slt, %add3A_919, %lt3A_920 : i32
      %convert_element_type3A_922 = arith.extui %lt3A_921 : i1 to i32
      %cond3A_923 = arith.constant 0 : i32
      %cond3A_924 = arith.cmpi ne, %convert_element_type3A_922, %cond3A_923 : i32
      scf.if %cond3A_924 {
        %add3A_1101 = arith.constant 3 : i32
        %add3A_1102 = arith.addi %add3A_908, %add3A_1101 : i32
        %mul3A_1103 = arith.constant 128 : i32
        %mul3A_1104 = arith.muli %add3A_1102, %mul3A_1103 : i32
        %dma_start3A_1105 = tpu.memref_slice %arg6[%mul3A_1104] : memref<6400xi32, #tpu.memory_space<vmem>> -> memref<128xi32, #tpu.memory_space<vmem>>
        %dma_start3A_1106 = arith.constant 0 : i32
        %dma_start3A_1107 = arith.constant 0 : i32
        %dma_start3A_1108 = tpu.memref_slice %arg3[%dma_start3A_1106, %dma_start3A_1107] : memref<100000x128xf32, #tpu.memory_space<hbm>> -> memref<100000x128xf32, #tpu.memory_space<hbm>>
        tpu.enqueue_indirect_dma source(%dma_start3A_1108 : memref<100000x128xf32, #tpu.memory_space<hbm>>) target(%arg11 : memref<128x128xf32, #tpu.memory_space<vmem>>) offsets(%dma_start3A_1105 : memref<128xi32, #tpu.memory_space<vmem>>) semaphore(%arg21 : memref<!tpu.dma_semaphore, #tpu.memory_space<semaphore_mem>>)
      } else {
      }
      %mul3A_925 = arith.constant 128 : i32
      %mul3A_926 = arith.muli %add3A_908, %mul3A_925 : i32
      %dma_wait3A_927 = tpu.memref_slice %arg6[%mul3A_926] : memref<6400xi32, #tpu.memory_space<vmem>> -> memref<128xi32, #tpu.memory_space<vmem>>
      %dma_wait3A_928 = arith.constant 0 : i32
      %dma_wait3A_929 = arith.constant 0 : i32
      %dma_wait3A_930 = tpu.memref_slice %arg3[%dma_wait3A_928, %dma_wait3A_929] : memref<100000x128xf32, #tpu.memory_space<hbm>> -> memref<100000x128xf32, #tpu.memory_space<hbm>>
      tpu.wait_indirect_dma semaphore(%arg23 : memref<!tpu.dma_semaphore, #tpu.memory_space<semaphore_mem>>) src(%dma_wait3A_930 : memref<100000x128xf32, #tpu.memory_space<hbm>>) dst(%arg13 : memref<128x128xf32, #tpu.memory_space<vmem>>)
      %add3A_931 = arith.addi %mul3A_2, %add3A_908 : i32
      %jit3A_932 = arith.constant 8 : i32
      %div3A_933 = arith.divsi %add3A_931, %jit3A_932 : i32
      %sign3A_934 = arith.constant 0 : i32
      %sign3A_935 = arith.cmpi sgt, %add3A_931, %sign3A_934 : i32
      %sign3A_936 = arith.extui %sign3A_935 : i1 to i32
      %sign3A_937 = arith.constant 0 : i32
      %sign3A_938 = arith.cmpi slt, %add3A_931, %sign3A_937 : i32
      %sign3A_939 = arith.extui %sign3A_938 : i1 to i32
      %sign3A_940 = arith.subi %sign3A_936, %sign3A_939 : i32
      %sign3A_941 = arith.constant 0 : i32
      %sign3A_942 = arith.cmpi sgt, %jit3A_932, %sign3A_941 : i32
      %sign3A_943 = arith.extui %sign3A_942 : i1 to i32
      %sign3A_944 = arith.constant 0 : i32
      %sign3A_945 = arith.cmpi slt, %jit3A_932, %sign3A_944 : i32
      %sign3A_946 = arith.extui %sign3A_945 : i1 to i32
      %sign3A_947 = arith.subi %sign3A_943, %sign3A_946 : i32
      %ne3A_948 = arith.cmpi ne, %sign3A_940, %sign3A_947 : i32
      %rem3A_949 = arith.remsi %add3A_931, %jit3A_932 : i32
      %ne3A_950 = arith.constant 0 : i32
      %ne3A_951 = arith.cmpi ne, %rem3A_949, %ne3A_950 : i32
      %and3A_952 = arith.andi %ne3A_948, %ne3A_951 : i1
      %sub3A_953 = arith.constant 1 : i32
      %sub3A_954 = arith.subi %div3A_933, %sub3A_953 : i32
      %select_n3A_955 = arith.select %and3A_952, %sub3A_954, %div3A_933 : i32
      %jit3A_956 = arith.constant 8 : i32
      %eq3A_957 = arith.constant 0 : i32
      %eq3A_958 = arith.cmpi eq, %jit3A_956, %eq3A_957 : i32
      %jit3A_959 = arith.constant 1 : i32
      %select_n3A_960 = arith.select %eq3A_958, %jit3A_959, %jit3A_956 : i32
      %rem3A_961 = arith.remsi %add3A_931, %select_n3A_960 : i32
      %ne3A_962 = arith.constant 0 : i32
      %ne3A_963 = arith.cmpi ne, %rem3A_961, %ne3A_962 : i32
      %lt3A_964 = arith.constant 0 : i32
      %lt3A_965 = arith.cmpi slt, %rem3A_961, %lt3A_964 : i32
      %lt3A_966 = arith.constant 0 : i32
      %lt3A_967 = arith.cmpi slt, %select_n3A_960, %lt3A_966 : i32
      %ne3A_968 = arith.xori %lt3A_965, %lt3A_967 : i1
      %and3A_969 = arith.andi %ne3A_968, %ne3A_963 : i1
      %add3A_970 = arith.addi %rem3A_961, %select_n3A_960 : i32
      %select_n3A_971 = arith.select %and3A_969, %add3A_970, %rem3A_961 : i32
      %mul3A_972 = arith.constant 128 : i32
      %mul3A_973 = arith.muli %select_n3A_971, %mul3A_972 : i32
      %mul3A_974 = arith.constant 200 : i32
      %mul3A_975 = arith.muli %mul3A_973, %mul3A_974 : i32
      %add3A_976 = arith.addi %mul3A_975, %select_n3A_955 : i32
      %get3A_977 = arith.constant 0 : index
      %get3A_978 = tpu.vector_load %arg8[%get3A_977] {strides = array<i32>} : memref<128xi32, #tpu.memory_space<vmem>>, vector<16xi32>,
      %get3A_979 = vector.shape_cast %get3A_978 : vector<16xi32> to vector<16xi32>
      %add3A_980 = vector.broadcast %add3A_976 : i32 to vector<16xi32>
      %add3A_981 = arith.addi %get3A_979, %add3A_980 : vector<16xi32>
      %swap3A_982 = arith.constant 0 : index
      %swap3A_983 = tpu.vector_load %arg18[%swap3A_982] {strides = array<i32>} : memref<128xi32, #tpu.memory_space<vmem>>, vector<16xi32>,
      %swap3A_984 = vector.shape_cast %swap3A_983 : vector<16xi32> to vector<16xi32>
      %swap3A_985 = vector.shape_cast %add3A_981 : vector<16xi32> to vector<16xi32>
      tpu.vector_store %arg18[%swap3A_982], %swap3A_985 {strides = array<i32>} : memref<128xi32, #tpu.memory_space<vmem>>, vector<16xi32>,
      %get3A_986 = arith.constant 16 : index
      %get3A_987 = tpu.vector_load %arg8[%get3A_986] {strides = array<i32>} : memref<128xi32, #tpu.memory_space<vmem>>, vector<16xi32>,
      %get3A_988 = vector.shape_cast %get3A_987 : vector<16xi32> to vector<16xi32>
      %add3A_989 = vector.broadcast %add3A_976 : i32 to vector<16xi32>
      %add3A_990 = arith.addi %get3A_988, %add3A_989 : vector<16xi32>
      %swap3A_991 = arith.constant 16 : index
      %swap3A_992 = tpu.vector_load %arg18[%swap3A_991] {strides = array<i32>} : memref<128xi32, #tpu.memory_space<vmem>>, vector<16xi32>,
      %swap3A_993 = vector.shape_cast %swap3A_992 : vector<16xi32> to vector<16xi32>
      %swap3A_994 = vector.shape_cast %add3A_990 : vector<16xi32> to vector<16xi32>
      tpu.vector_store %arg18[%swap3A_991], %swap3A_994 {strides = array<i32>} : memref<128xi32, #tpu.memory_space<vmem>>, vector<16xi32>,
      %get3A_995 = arith.constant 32 : index
      %get3A_996 = tpu.vector_load %arg8[%get3A_995] {strides = array<i32>} : memref<128xi32, #tpu.memory_space<vmem>>, vector<16xi32>,
      %get3A_997 = vector.shape_cast %get3A_996 : vector<16xi32> to vector<16xi32>
      %add3A_998 = vector.broadcast %add3A_976 : i32 to vector<16xi32>
      %add3A_999 = arith.addi %get3A_997, %add3A_998 : vector<16xi32>
      %swap3A_1000 = arith.constant 32 : index
      %swap3A_1001 = tpu.vector_load %arg18[%swap3A_1000] {strides = array<i32>} : memref<128xi32, #tpu.memory_space<vmem>>, vector<16xi32>,
      %swap3A_1002 = vector.shape_cast %swap3A_1001 : vector<16xi32> to vector<16xi32>
      %swap3A_1003 = vector.shape_cast %add3A_999 : vector<16xi32> to vector<16xi32>
      tpu.vector_store %arg18[%swap3A_1000], %swap3A_1003 {strides = array<i32>} : memref<128xi32, #tpu.memory_space<vmem>>, vector<16xi32>,
      %get3A_1004 = arith.constant 48 : index
      %get3A_1005 = tpu.vector_load %arg8[%get3A_1004] {strides = array<i32>} : memref<128xi32, #tpu.memory_space<vmem>>, vector<16xi32>,
      %get3A_1006 = vector.shape_cast %get3A_1005 : vector<16xi32> to vector<16xi32>
      %add3A_1007 = vector.broadcast %add3A_976 : i32 to vector<16xi32>
      %add3A_1008 = arith.addi %get3A_1006, %add3A_1007 : vector<16xi32>
      %swap3A_1009 = arith.constant 48 : index
      %swap3A_1010 = tpu.vector_load %arg18[%swap3A_1009] {strides = array<i32>} : memref<128xi32, #tpu.memory_space<vmem>>, vector<16xi32>,
      %swap3A_1011 = vector.shape_cast %swap3A_1010 : vector<16xi32> to vector<16xi32>
      %swap3A_1012 = vector.shape_cast %add3A_1008 : vector<16xi32> to vector<16xi32>
      tpu.vector_store %arg18[%swap3A_1009], %swap3A_1012 {strides = array<i32>} : memref<128xi32, #tpu.memory_space<vmem>>, vector<16xi32>,
      %get3A_1013 = arith.constant 64 : index
      %get3A_1014 = tpu.vector_load %arg8[%get3A_1013] {strides = array<i32>} : memref<128xi32, #tpu.memory_space<vmem>>, vector<16xi32>,
      %get3A_1015 = vector.shape_cast %get3A_1014 : vector<16xi32> to vector<16xi32>
      %add3A_1016 = vector.broadcast %add3A_976 : i32 to vector<16xi32>
      %add3A_1017 = arith.addi %get3A_1015, %add3A_1016 : vector<16xi32>
      %swap3A_1018 = arith.constant 64 : index
      %swap3A_1019 = tpu.vector_load %arg18[%swap3A_1018] {strides = array<i32>} : memref<128xi32, #tpu.memory_space<vmem>>, vector<16xi32>,
      %swap3A_1020 = vector.shape_cast %swap3A_1019 : vector<16xi32> to vector<16xi32>
      %swap3A_1021 = vector.shape_cast %add3A_1017 : vector<16xi32> to vector<16xi32>
      tpu.vector_store %arg18[%swap3A_1018], %swap3A_1021 {strides = array<i32>} : memref<128xi32, #tpu.memory_space<vmem>>, vector<16xi32>,
      %get3A_1022 = arith.constant 80 : index
      %get3A_1023 = tpu.vector_load %arg8[%get3A_1022] {strides = array<i32>} : memref<128xi32, #tpu.memory_space<vmem>>, vector<16xi32>,
      %get3A_1024 = vector.shape_cast %get3A_1023 : vector<16xi32> to vector<16xi32>
      %add3A_1025 = vector.broadcast %add3A_976 : i32 to vector<16xi32>
      %add3A_1026 = arith.addi %get3A_1024, %add3A_1025 : vector<16xi32>
      %swap3A_1027 = arith.constant 80 : index
      %swap3A_1028 = tpu.vector_load %arg18[%swap3A_1027] {strides = array<i32>} : memref<128xi32, #tpu.memory_space<vmem>>, vector<16xi32>,
      %swap3A_1029 = vector.shape_cast %swap3A_1028 : vector<16xi32> to vector<16xi32>
      %swap3A_1030 = vector.shape_cast %add3A_1026 : vector<16xi32> to vector<16xi32>
      tpu.vector_store %arg18[%swap3A_1027], %swap3A_1030 {strides = array<i32>} : memref<128xi32, #tpu.memory_space<vmem>>, vector<16xi32>,
      %get3A_1031 = arith.constant 96 : index
      %get3A_1032 = tpu.vector_load %arg8[%get3A_1031] {strides = array<i32>} : memref<128xi32, #tpu.memory_space<vmem>>, vector<16xi32>,
      %get3A_1033 = vector.shape_cast %get3A_1032 : vector<16xi32> to vector<16xi32>
      %add3A_1034 = vector.broadcast %add3A_976 : i32 to vector<16xi32>
      %add3A_1035 = arith.addi %get3A_1033, %add3A_1034 : vector<16xi32>
      %swap3A_1036 = arith.constant 96 : index
      %swap3A_1037 = tpu.vector_load %arg18[%swap3A_1036] {strides = array<i32>} : memref<128xi32, #tpu.memory_space<vmem>>, vector<16xi32>,
      %swap3A_1038 = vector.shape_cast %swap3A_1037 : vector<16xi32> to vector<16xi32>
      %swap3A_1039 = vector.shape_cast %add3A_1035 : vector<16xi32> to vector<16xi32>
      tpu.vector_store %arg18[%swap3A_1036], %swap3A_1039 {strides = array<i32>} : memref<128xi32, #tpu.memory_space<vmem>>, vector<16xi32>,
      %get3A_1040 = arith.constant 112 : index
      %get3A_1041 = tpu.vector_load %arg8[%get3A_1040] {strides = array<i32>} : memref<128xi32, #tpu.memory_space<vmem>>, vector<16xi32>,
      %get3A_1042 = vector.shape_cast %get3A_1041 : vector<16xi32> to vector<16xi32>
      %add3A_1043 = vector.broadcast %add3A_976 : i32 to vector<16xi32>
      %add3A_1044 = arith.addi %get3A_1042, %add3A_1043 : vector<16xi32>
      %swap3A_1045 = arith.constant 112 : index
      %swap3A_1046 = tpu.vector_load %arg18[%swap3A_1045] {strides = array<i32>} : memref<128xi32, #tpu.memory_space<vmem>>, vector<16xi32>,
      %swap3A_1047 = vector.shape_cast %swap3A_1046 : vector<16xi32> to vector<16xi32>
      %swap3A_1048 = vector.shape_cast %add3A_1044 : vector<16xi32> to vector<16xi32>
      tpu.vector_store %arg18[%swap3A_1045], %swap3A_1048 {strides = array<i32>} : memref<128xi32, #tpu.memory_space<vmem>>, vector<16xi32>,
      %sub3A_1049 = arith.subi %select_n3A_955, %select_n3A : i32
      %mul3A_1050 = arith.constant 128 : i32
      %mul3A_1051 = arith.muli %sub3A_1049, %mul3A_1050 : i32
      %add3A_1052 = arith.constant 0 : i32
      %add3A_1053 = arith.addi %mul3A_1051, %add3A_1052 : i32
      %get3A_1054 = arith.index_cast %add3A_1053 : i32 to index
      %get3A_1055 = tpu.vector_load %arg7[%get3A_1054] {strides = array<i32>} : memref<896xf32, #tpu.memory_space<vmem>>, vector<16xf32>,
      %get3A_1056 = vector.shape_cast %get3A_1055 : vector<16xf32> to vector<16xf32>
      %add3A_1057 = arith.constant 16 : i32
      %add3A_1058 = arith.addi %mul3A_1051, %add3A_1057 : i32
      %get3A_1059 = arith.index_cast %add3A_1058 : i32 to index
      %get3A_1060 = tpu.vector_load %arg7[%get3A_1059] {strides = array<i32>} : memref<896xf32, #tpu.memory_space<vmem>>, vector<16xf32>,
      %get3A_1061 = vector.shape_cast %get3A_1060 : vector<16xf32> to vector<16xf32>
      %add3A_1062 = arith.constant 32 : i32
      %add3A_1063 = arith.addi %mul3A_1051, %add3A_1062 : i32
      %get3A_1064 = arith.index_cast %add3A_1063 : i32 to index
      %get3A_1065 = tpu.vector_load %arg7[%get3A_1064] {strides = array<i32>} : memref<896xf32, #tpu.memory_space<vmem>>, vector<16xf32>,
      %get3A_1066 = vector.shape_cast %get3A_1065 : vector<16xf32> to vector<16xf32>
      %add3A_1067 = arith.constant 48 : i32
      %add3A_1068 = arith.addi %mul3A_1051, %add3A_1067 : i32
      %get3A_1069 = arith.index_cast %add3A_1068 : i32 to index
      %get3A_1070 = tpu.vector_load %arg7[%get3A_1069] {strides = array<i32>} : memref<896xf32, #tpu.memory_space<vmem>>, vector<16xf32>,
      %get3A_1071 = vector.shape_cast %get3A_1070 : vector<16xf32> to vector<16xf32>
      %add3A_1072 = arith.constant 64 : i32
      %add3A_1073 = arith.addi %mul3A_1051, %add3A_1072 : i32
      %get3A_1074 = arith.index_cast %add3A_1073 : i32 to index
      %get3A_1075 = tpu.vector_load %arg7[%get3A_1074] {strides = array<i32>} : memref<896xf32, #tpu.memory_space<vmem>>, vector<16xf32>,
      %get3A_1076 = vector.shape_cast %get3A_1075 : vector<16xf32> to vector<16xf32>
      %add3A_1077 = arith.constant 80 : i32
      %add3A_1078 = arith.addi %mul3A_1051, %add3A_1077 : i32
      %get3A_1079 = arith.index_cast %add3A_1078 : i32 to index
      %get3A_1080 = tpu.vector_load %arg7[%get3A_1079] {strides = array<i32>} : memref<896xf32, #tpu.memory_space<vmem>>, vector<16xf32>,
      %get3A_1081 = vector.shape_cast %get3A_1080 : vector<16xf32> to vector<16xf32>
      %add3A_1082 = arith.constant 96 : i32
      %add3A_1083 = arith.addi %mul3A_1051, %add3A_1082 : i32
      %get3A_1084 = arith.index_cast %add3A_1083 : i32 to index
      %get3A_1085 = tpu.vector_load %arg7[%get3A_1084] {strides = array<i32>} : memref<896xf32, #tpu.memory_space<vmem>>, vector<16xf32>,
      %get3A_1086 = vector.shape_cast %get3A_1085 : vector<16xf32> to vector<16xf32>
      %add3A_1087 = arith.constant 112 : i32
      %add3A_1088 = arith.addi %mul3A_1051, %add3A_1087 : i32
      %get3A_1089 = arith.index_cast %add3A_1088 : i32 to index
      %get3A_1090 = tpu.vector_load %arg7[%get3A_1089] {strides = array<i32>} : memref<896xf32, #tpu.memory_space<vmem>>, vector<16xf32>,
      %get3A_1091 = vector.shape_cast %get3A_1090 : vector<16xf32> to vector<16xf32>
      %scan3A_1092 = arith.constant 0 : i32
      %scan3A_1093 = arith.constant 0 : i32
      %scan3A_1094 = arith.constant 128 : i32
      %scan3A_1095 = arith.addi %scan3A_1093, %scan3A_1094 : i32
      %scan3A_1096 = arith.constant 1 : i32
      scf.for %scan3A_1101 = %scan3A_1093 to %scan3A_1095 step %scan3A_1096  : i32 {
        %swap3A_1102 = arith.index_cast %scan3A_1101 : i32 to index
        %swap3A_1103 = arith.constant 0 : index
        %swap3A_1104 = tpu.vector_load %arg13[%swap3A_1102, %swap3A_1103] {strides = array<i32>} : memref<128x128xf32, #tpu.memory_space<vmem>>, vector<1x16xf32>,
        %swap3A_1105 = vector.shape_cast %swap3A_1104 : vector<1x16xf32> to vector<16xf32>
        %swap3A_1106 = vector.shape_cast %get3A_1056 : vector<16xf32> to vector<1x16xf32>
        tpu.vector_store %arg13[%swap3A_1102, %swap3A_1103], %swap3A_1106 {add = true, strides = array<i32>} : memref<128x128xf32, #tpu.memory_space<vmem>>, vector<1x16xf32>,
        %swap3A_1107 = arith.index_cast %scan3A_1101 : i32 to index
        %swap3A_1108 = arith.constant 16 : index
        %swap3A_1109 = tpu.vector_load %arg13[%swap3A_1107, %swap3A_1108] {strides = array<i32>} : memref<128x128xf32, #tpu.memory_space<vmem>>, vector<1x16xf32>,
        %swap3A_1110 = vector.shape_cast %swap3A_1109 : vector<1x16xf32> to vector<16xf32>
        %swap3A_1111 = vector.shape_cast %get3A_1061 : vector<16xf32> to vector<1x16xf32>
        tpu.vector_store %arg13[%swap3A_1107, %swap3A_1108], %swap3A_1111 {add = true, strides = array<i32>} : memref<128x128xf32, #tpu.memory_space<vmem>>, vector<1x16xf32>,
        %swap3A_1112 = arith.index_cast %scan3A_1101 : i32 to index
        %swap3A_1113 = arith.constant 32 : index
        %swap3A_1114 = tpu.vector_load %arg13[%swap3A_1112, %swap3A_1113] {strides = array<i32>} : memref<128x128xf32, #tpu.memory_space<vmem>>, vector<1x16xf32>,
        %swap3A_1115 = vector.shape_cast %swap3A_1114 : vector<1x16xf32> to vector<16xf32>
        %swap3A_1116 = vector.shape_cast %get3A_1066 : vector<16xf32> to vector<1x16xf32>
        tpu.vector_store %arg13[%swap3A_1112, %swap3A_1113], %swap3A_1116 {add = true, strides = array<i32>} : memref<128x128xf32, #tpu.memory_space<vmem>>, vector<1x16xf32>,
        %swap3A_1117 = arith.index_cast %scan3A_1101 : i32 to index
        %swap3A_1118 = arith.constant 48 : index
        %swap3A_1119 = tpu.vector_load %arg13[%swap3A_1117, %swap3A_1118] {strides = array<i32>} : memref<128x128xf32, #tpu.memory_space<vmem>>, vector<1x16xf32>,
        %swap3A_1120 = vector.shape_cast %swap3A_1119 : vector<1x16xf32> to vector<16xf32>
        %swap3A_1121 = vector.shape_cast %get3A_1071 : vector<16xf32> to vector<1x16xf32>
        tpu.vector_store %arg13[%swap3A_1117, %swap3A_1118], %swap3A_1121 {add = true, strides = array<i32>} : memref<128x128xf32, #tpu.memory_space<vmem>>, vector<1x16xf32>,
        %swap3A_1122 = arith.index_cast %scan3A_1101 : i32 to index
        %swap3A_1123 = arith.constant 64 : index
        %swap3A_1124 = tpu.vector_load %arg13[%swap3A_1122, %swap3A_1123] {strides = array<i32>} : memref<128x128xf32, #tpu.memory_space<vmem>>, vector<1x16xf32>,
        %swap3A_1125 = vector.shape_cast %swap3A_1124 : vector<1x16xf32> to vector<16xf32>
        %swap3A_1126 = vector.shape_cast %get3A_1076 : vector<16xf32> to vector<1x16xf32>
        tpu.vector_store %arg13[%swap3A_1122, %swap3A_1123], %swap3A_1126 {add = true, strides = array<i32>} : memref<128x128xf32, #tpu.memory_space<vmem>>, vector<1x16xf32>,
        %swap3A_1127 = arith.index_cast %scan3A_1101 : i32 to index
        %swap3A_1128 = arith.constant 80 : index
        %swap3A_1129 = tpu.vector_load %arg13[%swap3A_1127, %swap3A_1128] {strides = array<i32>} : memref<128x128xf32, #tpu.memory_space<vmem>>, vector<1x16xf32>,
        %swap3A_1130 = vector.shape_cast %swap3A_1129 : vector<1x16xf32> to vector<16xf32>
        %swap3A_1131 = vector.shape_cast %get3A_1081 : vector<16xf32> to vector<1x16xf32>
        tpu.vector_store %arg13[%swap3A_1127, %swap3A_1128], %swap3A_1131 {add = true, strides = array<i32>} : memref<128x128xf32, #tpu.memory_space<vmem>>, vector<1x16xf32>,
        %swap3A_1132 = arith.index_cast %scan3A_1101 : i32 to index
        %swap3A_1133 = arith.constant 96 : index
        %swap3A_1134 = tpu.vector_load %arg13[%swap3A_1132, %swap3A_1133] {strides = array<i32>} : memref<128x128xf32, #tpu.memory_space<vmem>>, vector<1x16xf32>,
        %swap3A_1135 = vector.shape_cast %swap3A_1134 : vector<1x16xf32> to vector<16xf32>
        %swap3A_1136 = vector.shape_cast %get3A_1086 : vector<16xf32> to vector<1x16xf32>
        tpu.vector_store %arg13[%swap3A_1132, %swap3A_1133], %swap3A_1136 {add = true, strides = array<i32>} : memref<128x128xf32, #tpu.memory_space<vmem>>, vector<1x16xf32>,
        %swap3A_1137 = arith.index_cast %scan3A_1101 : i32 to index
        %swap3A_1138 = arith.constant 112 : index
        %swap3A_1139 = tpu.vector_load %arg13[%swap3A_1137, %swap3A_1138] {strides = array<i32>} : memref<128x128xf32, #tpu.memory_space<vmem>>, vector<1x16xf32>,
        %swap3A_1140 = vector.shape_cast %swap3A_1139 : vector<1x16xf32> to vector<16xf32>
        %swap3A_1141 = vector.shape_cast %get3A_1091 : vector<16xf32> to vector<1x16xf32>
        tpu.vector_store %arg13[%swap3A_1137, %swap3A_1138], %swap3A_1141 {add = true, strides = array<i32>} : memref<128x128xf32, #tpu.memory_space<vmem>>, vector<1x16xf32>,
      }
      %scan3A_1097 = arith.constant 128 : i32
      %dma_start3A_1098 = arith.constant 0 : i32
      %dma_start3A_1099 = arith.constant 0 : i32
      %dma_start3A_1100 = tpu.memref_slice %arg5[%dma_start3A_1098, %dma_start3A_1099] : memref<204800x128xf32, #tpu.memory_space<hbm>> -> memref<204800x128xf32, #tpu.memory_space<hbm>>
      tpu.enqueue_indirect_dma source(%arg13 : memref<128x128xf32, #tpu.memory_space<vmem>>) target(%dma_start3A_1100 : memref<204800x128xf32, #tpu.memory_space<hbm>>) offsets(%arg18 : memref<128xi32, #tpu.memory_space<vmem>>) semaphore(%arg28 : memref<!tpu.dma_semaphore, #tpu.memory_space<semaphore_mem>>)
    }
    %scan3A_120 = arith.constant 10 : i32
    %dma_wait3A = arith.constant 0 : i32
    %dma_wait3A_121 = arith.constant 0 : i32
    %dma_wait3A_122 = tpu.memref_slice %arg5[%dma_wait3A, %dma_wait3A_121] : memref<204800x128xf32, #tpu.memory_space<hbm>> -> memref<204800x128xf32, #tpu.memory_space<hbm>>
    tpu.wait_indirect_dma semaphore(%arg27 : memref<!tpu.dma_semaphore, #tpu.memory_space<semaphore_mem>>) src(%arg12 : memref<128x128xf32, #tpu.memory_space<vmem>>) dst(%dma_wait3A_122 : memref<204800x128xf32, #tpu.memory_space<hbm>>)
    %dma_wait3A_123 = arith.constant 0 : i32
    %dma_wait3A_124 = arith.constant 0 : i32
    %dma_wait3A_125 = tpu.memref_slice %arg5[%dma_wait3A_123, %dma_wait3A_124] : memref<204800x128xf32, #tpu.memory_space<hbm>> -> memref<204800x128xf32, #tpu.memory_space<hbm>>
    tpu.wait_indirect_dma semaphore(%arg28 : memref<!tpu.dma_semaphore, #tpu.memory_space<semaphore_mem>>) src(%arg13 : memref<128x128xf32, #tpu.memory_space<vmem>>) dst(%dma_wait3A_125 : memref<204800x128xf32, #tpu.memory_space<hbm>>)
    return
  }
}

</mosaic_0001>

<sc_bundles>
// kernel: kernel.3.cloned.1.call-start
scs
__scs_entry_jumppad:
0x0: {  	(pc) =	sbr.rel $0x88, $3  }
0x1: {  	(tag) =	ssettag $0x0;
	lr =	simm.s32 $0x1  }
0x2: {  	[smem:$0x3F9E] =	sst lr;
	_ =	strace $0xD0000000  }
0x3: {  	_ = 	snop  }
0x4: {  	_ = 	snop  }
0x5: {  	_ = 	snop  }
0x6: {  	_ = 	snop  }
0x7: {  	_ = 	snop  }
__scs_overlays_trampoline_lowered:
0x8: {  	[smem:$0x3FAD] =	sst s0  }
0x9: {  	[smem:$0x3FAE] =	sst s1  }
0xa: {  	[smem:$0x3FAF] =	sst s2  }
0xb: {  	[smem:$0x3FB0] =	sst s3  }
0xc: {  	[smem:$0x3FB1] =	sst s4  }
0xd: {  	[smem:$0x3FB2] =	sst s5  }
0xe: {  	[smem:$0x3FB3] =	sst s6  }
0xf: {  	[smem:$0x3FB4] =	sst s7  }
0x10: {  	[smem:$0x3FB5] =	sst s8  }
0x11: {  	[smem:$0x3FB6] =	sst s9;
	s0 =	simm.s32 @!p0 $0x0  }
0x12: {  	s1 =	sld [smem:$0x3F9C];
	s0 =	simm.s32 @p0 $0x1  }
0x13: {  	[smem:$0x3FB7] =	sst s0;
	s0 =	simm.s32 @!p1 $0x0  }
0x14: {  	s2 =	sld [smem:$0x3F9B];
	s0 =	simm.s32 @p1 $0x1  }
0x15: {  	[smem:$0x3FB8] =	sst s0;
	s0 =	simm.s32 @!p2 $0x0  }
0x16: {  	s3 =	sld [smem:$0x3FDB];
	s0 =	simm.s32 @p2 $0x1  }
0x17: {  	s4 =	simm.s32 $0x1BF5;
	[smem:$0x3FBA] =	sst s0  }
0x18: {  	s0 =	sld [smem:$0x3F9D];
	_ =	swait.ge [sflag:s4], $0x0  }
0x19: {  	s7 =	sld [smem:$0x3F9E]  }
0x1a: {  	s8 =	sadd.s32 $0xFFFFE003, lr  }
0x1b: {  	s9 =	sadd.s32 $0xFFFFFEF7, lr;
	s5 =	simm.s32 $0xFFFFFFFF;
	p2 =	slt.u32 s8, $0xFFFFF086  }
0x1c: {  	p1 =	slt.u32 s9, $0xF7A;
	s5 =	simm.s32 @!p2 $0x0  }
0x1d: {  	s5 =	simm.s32 @p1 $0x1;
	p0 =	seq.s32 s7, s2  }
0x1e: {  	s7 =	smul.u32 @!p0 $0xF7A, s2;
	p2 =	seq.s32 @!p0 s5, $0x0  }
0x1f: {  	s9 =	smul.u32 $0xF7A, s1;
	s8 =	simm.s32 @!p0 $0x1BF5;
	p2 =	por !p2, p0  }
0x20: {  	[sflag:s8] =	ssyncset.s32 @!p0 $0xFFFFF086;
	s6 =	sadd.s32 @!p0 s3, s7;
	s7 =	simm.s32 @!p0 $0x108  }
0x21: {  	s3 =	sadd.s32 s3, s9;
	s6 =	sadd.s32 @!p0 $0x88, s6;
	s7 =	simm.s32 @p2 $0x1082  }
0x22: {  	[simem:s7], [sflag:s8] =	dma.local @!p0 [hbm:s6], $0xF7A  }
0x23: {  	s9 =	sor.u32 $0xD0000000, s2;
	s6 =	simm.s32 $0x108;
	_ =	swait.ge @!p0 [sflag:s8], $0x0  }
0x24: {  	s3 =	sadd.s32 $0x88, s3;
	s6 =	simm.s32 @!p1 $0x1082;
	[sflag:s4] =	ssyncset.s32 $0xFFFFF086  }
0x25: {  	[simem:s6], [sflag:s4] =	dma.local [hbm:s3], $0xF7A  }
0x26: {  	[smem:$0x3F9E] =	sst s1;
	(tag) =	ssettag s2;
	_ =	strace s9  }
0x27: {  	s1 =	sld [smem:$0x3FAE]  }
0x28: {  	s2 =	sld [smem:$0x3FAF]  }
0x29: {  	s4 =	sld [smem:$0x3FB1]  }
0x2a: {  	p0 =	seq.s32 s5, $0x0;
	s5 =	sld [smem:$0x3FB2]  }
0x2b: {  	s6 =	sld [smem:$0x3FB3]  }
0x2c: {  	s7 =	sld [smem:$0x3FB4]  }
0x2d: {  	s3 =	simm.s32 $0x108;
	s8 =	sld [smem:$0x3FB5]  }
0x2e: {  	s3 =	simm.s32 @!p0 $0x1082;
	s9 =	sld [smem:$0x3FB6]  }
0x2f: {  	lr =	sadd.s32 s0, s3;
	s0 =	sld [smem:$0x3FAD]  }
0x30: {  	s3 =	sld [smem:$0x3FB0]  }
0x31: {  	[smem:$0x3FB9] =	sst s10  }
0x32: {  	s10 =	sld [smem:$0x3FB7];
	_ =	sdelay $0x3  }
0x33: {  	p0 =	seq.s32 s10, $0x1;
	s10 =	sld [smem:$0x3FB9];
	_ =	sdelay $0x3  }
0x34: {  	[smem:$0x3FB9] =	sst s10  }
0x35: {  	s10 =	sld [smem:$0x3FB8];
	_ =	sdelay $0x3  }
0x36: {  	p1 =	seq.s32 s10, $0x1;
	s10 =	sld [smem:$0x3FB9];
	_ =	sdelay $0x3  }
0x37: {  	[smem:$0x3FB9] =	sst s10  }
0x38: {  	s10 =	sld [smem:$0x3FBA]  }
0x39: {  	_ = 	snop;
	(pc) =	sbr.ind lr, $3  }
0x3a: {  	_ = 	snop  }
0x3b: {  	_ = 	snop  }
0x3c: {  	p2 =	seq.s32 s10, $0x1;
	s10 =	sld [smem:$0x3FB9]  }
0x3d: {  	_ =	shalt  }
0x3e: {  	_ =	shalt  }
0x3f: {  	_ =	shalt  }
0x40: {  	_ =	shalt  }
0x41: {  	_ =	shalt  }
0x42: {  	_ =	shalt  }
0x43: {  	_ =	shalt  }
0x44: {  	_ =	shalt  }
0x45: {  	_ =	shalt  }
0x46: {  	_ =	shalt  }
0x47: {  	_ =	shalt  }
0x48: {  	_ =	shalt  }
0x49: {  	_ =	shalt  }
0x4a: {  	_ =	shalt  }
0x4b: {  	_ =	shalt  }
0x4c: {  	_ =	shalt  }
0x4d: {  	_ =	shalt  }
0x4e: {  	_ =	shalt  }
0x4f: {  	_ =	shalt  }
0x50: {  	_ =	shalt  }
0x51: {  	_ =	shalt  }
0x52: {  	_ =	shalt  }
0x53: {  	_ =	shalt  }
0x54: {  	_ =	shalt  }
0x55: {  	_ =	shalt  }
0x56: {  	_ =	shalt  }
0x57: {  	_ =	shalt  }
0x58: {  	_ =	shalt  }
0x59: {  	_ =	shalt  }
0x5a: {  	_ =	shalt  }
0x5b: {  	_ =	shalt  }
0x5c: {  	_ =	shalt  }
0x5d: {  	_ =	shalt  }
0x5e: {  	_ =	shalt  }
0x5f: {  	_ =	shalt  }
0x60: {  	_ =	shalt  }
0x61: {  	_ =	shalt  }
0x62: {  	_ =	shalt  }
0x63: {  	_ =	shalt  }
0x64: {  	_ =	shalt  }
0x65: {  	_ =	shalt  }
0x66: {  	_ =	shalt  }
0x67: {  	_ =	shalt  }
0x68: {  	_ =	shalt  }
0x69: {  	_ =	shalt  }
0x6a: {  	_ =	shalt  }
0x6b: {  	_ =	shalt  }
0x6c: {  	_ =	shalt  }
0x6d: {  	_ =	shalt  }
0x6e: {  	_ =	shalt  }
0x6f: {  	_ =	shalt  }
0x70: {  	_ =	shalt  }
0x71: {  	_ =	shalt  }
0x72: {  	_ =	shalt  }
0x73: {  	_ =	shalt  }
0x74: {  	_ =	shalt  }
0x75: {  	_ =	shalt  }
0x76: {  	_ =	shalt  }
0x77: {  	_ =	shalt  }
0x78: {  	_ =	shalt  }
0x79: {  	_ =	shalt  }
0x7a: {  	_ =	shalt  }
0x7b: {  	_ =	shalt  }
0x7c: {  	_ =	shalt  }
0x7d: {  	_ =	shalt  }
0x7e: {  	_ =	shalt  }
0x7f: {  	_ =	shalt  }
0x80: {  	_ =	shalt  }
0x81: {  	_ =	shalt  }
0x82: {  	_ =	shalt  }
0x83: {  	_ =	shalt  }
0x84: {  	_ =	shalt  }
0x85: {  	_ =	shalt  }
0x86: {  	_ =	shalt  }
0x87: {  	_ =	shalt  }
.Lfunc_end0:
.L_simem_size_0:
called_computation_lowered:
.L_overlay_start_0:
0x88: {  	s2 =	sld [smem:$0x3FD9]  }
0x89: {  	s3 =	sld [smem:$0x3FFE];
	_ =	sdelay $0x1  }
0x8a: {  	s1 =	srdreg.scid  }
0x8b: {  	s0 =	sand.u32 $0x1, s1  }
0x8c: {  	s17 =	sshll.u32 s0, $0xA;
	s2 =	sadd.s32 s3, s2  }
0x8d: {  	s2 =	sadd.s32 s2, s17  }
0x8e: {  	[smem:$0x3FC5] =	sst s2  }
0x8f: {  	_ = 	snop  }
0x90: {  	s2 =	sld [smem:$0x3FC8]  }
0x91: {  	s18 =	sld [smem:$0x3FC7]  }
0x92: {  	s4 =	sld [smem:$0x3FD0];
	(tm) =	ssettm $0x1  }
0x93: {  	s5 =	sld [smem:$0x3FFB];
	_ =	sdelay $0x3  }
0x94: {  	_ =	strace s5  }
0x95: {  	s5 =	sld [smem:$0x3FFC];
	_ =	sdelay $0x3  }
0x96: {  	_ =	strace s5  }
0x97: {  	s5 =	sld [smem:$0x3FFD];
	_ =	sdelay $0x3  }
0x98: {  	_ =	strace s5  }
0x99: {  	_ =	strace $0x8FFFFFFF  }
0x9a: {  	s19 =	sld [smem:$0x3FDB];
	_ =	sdelay $0x1  }
0x9b: {  	s6 =	simm.s32 $_scs_section_size  }
0x9c: {  	s7 =	simm.s32 $_size__tile_overlayer_lowered;
	s8 =	simm.s32 $_tile_overlayer_lowered  }
0x9d: {  	s22 =	simm.s32 $0x1BFF;
	s21 =	sshll.u32 s8, $0x1;
	s5 =	sadd.s32 s6, s19  }
0x9e: {  	s9 =	simm.s32 $0x0;
	s20 =	sshll.u32 s7, $0x1;
	s7 =	sadd.s32 s21, s5  }
0x9f: {  	[timem:s9], [sflag:s22] =	dma.local [hbm:s7], s20  }
0xa0: {  	_ =	swait.ge [sflag:s22], s20  }
0xa1: {  	s6 =	ssub.s32 $0x0, s20;
	[sflag:s22] =	ssyncset.done $0x0  }
0xa2: {  	[sflag:s22] =	ssyncadd.s32 s6;
	_ =	sdelay $0x1  }
0xa3: {  	s23 =	simm.s32 $0x1B8B  }
0xa4: {  	_ =	swait.ge [sflag:s23], $0x1  }
0xa5: {  	[sflag:s23] =	ssyncset.done $0x0  }
0xa6: {  	s25 =	simm.s32 $0x1B8E;
	s24 =	sld [smem:$0x3FFE];
	[sflag:s23] =	ssyncadd.s32 $0xFFFFFFFF  }
0xa7: {  	s26 =	simm.s32 $execute0_lowered;
	[smem:$0x3FD2] =	sst s25  }
0xa8: {  	s7 =	sshll.u32 s26, $0x1;
	_ =	strace $0x80000046;
	[dreg:$0x1] =	wrdreg $0xFFFFFFFF  }
0xa9: {  	s28 =	simm.s32 $_size_execute0_lowered;
	s5 =	sadd.s32 s5, s7;
	[dreg:$0x0] =	wrdreg $0x0  }
0xaa: {  	s7 =	sshll.u32 s28, $0x1;
	[dreg:$0x2] =	wrdreg s5  }
0xab: {  	[dreg:$0x3] =	wrdreg s7  }
0xac: {  	[dreg:$0x4] =	wrdreg $0xC0  }
0xad: {  	_ =	task [dreg:s9], $0x5FFFF  }
0xae: {  	[dreg:$0x1] =	wrdreg $0xFFFFFFFF  }
0xaf: {  	[dreg:$0x0] =	wrdreg $0x60  }
0xb0: {  	[dreg:$0x2] =	wrdreg s24  }
0xb1: {  	[dreg:$0x3] =	wrdreg s2  }
0xb2: {  	[dreg:$0x4] =	wrdreg s18  }
0xb3: {  	[dreg:$0x5] =	wrdreg s4  }
0xb4: {  	[dreg:$0x6] =	wrdreg $0x9  }
0xb5: {  	_ =	task.clear_ibuf [dreg:s9], $0x7FFFF;
	_ =	strace $0x90000046  }
0xb6: {  	s29 =	simm.s32 $0x9;
	_ =	strace $0x80000048  }
0xb7: {  	_ =	swait.ge [sflag:s29], $0x1  }
0xb8: {  	[sflag:s29] =	ssyncadd.s32 $0xFFFFFFFF  }
0xb9: {  	_ =	strace $0x90000048  }
0xba: {  	_ =	sfence  }
0xbb: {  	s30 =	sld [smem:$0x0];
	_ =	sdelay $0x2  }
0xbc: {  	s31 =	sshll.u32 s1, $0xD;
	s1 =	sshrl.u32 s1, $0x2  }
0xbd: {  	s3 =	sand.u32 $0x4000, s31;
	s1 =	sadd.s32 s1, s30  }
0xbe: {  	s0 =	sor.u32 s3, s0;
	s1 =	sshll.u32 s1, $0x11  }
0xbf: {  	s0 =	sor.u32 s1, s0  }
0xc0: {  	s0 =	sadd.s32 $0x8F2B, s0  }
0xc1: {  	[sflag:s0] =	ssyncadd.remote.s32 $0x1  }
0xc2: {  	_ =	sfence.sel $0xFFFF  }
0xc3: {  	[dreg:$0x0] =	wrdreg $0xFFFFFFFF;
	(pc) =	sbr.abs _section_cstart, $3  }
0xc4: {  	[dreg:$0x1] =	wrdreg $0xFFFFFFFF  }
0xc5: {  	_ =	task.clear_ibuf [dreg:s9], $0x2FFFF;
	_ =	strace $0x9FFFFFFF  }
0xc6: {  	(tm) =	ssettm $0x7FFFFFFF  }
0xc7: {  	_ =	shalt  }
tec
execute0_lowered:
.L_overlay_start_1:
0x0: {  	(tag) =	ssettag $0x1  }
0x1: {  	s0 =	rddreg [dreg:$0x0]  }
0x2: {  	s1 =	rddreg [dreg:$0x1];
	s2 =	srdreg.scid  }
0x3: {  	s3 =	stileid.u32;
	s4 =	rddreg [dreg:$0x2]  }
0x4: {  	s7 =	simm.s32 $0x0;
	s14 =	simm.s32 $0x80;
	s15 =	simm.s32 $0x1D00  }
0x5: {  	s16 =	simm.s32 $0x5D00;
	s18 =	simm.s32 $0x9D00;
	s19 =	simm.s32 $0xDD00  }
0x6: {  	s20 =	simm.s32 $0x1;
	s22 =	simm.s32 $0x11D00;
	s23 =	simm.s32 $0x2  }
0x7: {  	s28 =	simm.s32 $0x15E00;
	s29 =	simm.s32 $0x7;
	s30 =	simm.s32 $0x4  }
0x8: {  	s31 =	simm.s32 $0x15E80;
	s2 =	sand.u32 $0x1, s2;
	s5 =	sshll.u32 s3, $0x1  }
0x9: {  	s12 =	simm.s32 $0x15F00;
	s8 =	simm.s32 $0x0;
	s5 =	sor.u32 s2, s5  }
0xa: {  	s3 =	rddreg [dreg:$0x3];
	s2 =	ssub.s32 $0x2, s2;
	s6 =	smul.u32 $0x320, s5  }
0xb: {  	[smem:$0x7FF] =	sst s7;
	s5 =	smul.u32 $0x32, s5;
	s24 =	sshrl.u32 s2, $0x1  }
0xc: {  	v0 =	vlaneseq.u32;
	_ =	strace $0x80000047;
	s2 =	ssub.s32 s2, s24;
	s0 =	sadd.s32 s6, s0  }
0xd: {  	v0 =	vmul.u32 $0xC8, v0;
	s25 =	sshll.u32 s5, $0x1;
	s6 =	sshrl.u32 s5, $0x3;
	s9 =	sor.u32 $0x1, s5  }
0xe: {  	s10 =	sadd.s32 $0x2, s5;
	s26 =	smax.u32 s2, $0x1;
	s2 =	simm.s32 $0x8  }
0xf: {  	v1 =	vadd.s32 $0xC80, v0;
	s7 =	sand.u32 $0xFF0, s25;
	s0 =	sadd.s32 $0x400, s0;
	[dreg:$0x7] =	wrdreg s26  }
0x10: {  	v2 =	vadd.s32 $0x1900, v0;
	v3 =	vadd.s32 $0x2580, v0;
	v4 =	vadd.s32 $0x3200, v0;
	s25 =	simm.s32 $0x6;
	s4 =	sadd.s32 s4, s7;
	[dreg:$0x6] =	wrdreg s0  }
0x11: {  	v5 =	vadd.s32 $0x3E80, v0;
	v6 =	vadd.s32 $0x4B00, v0;
	v7 =	vadd.s32 $0x5780, v0;
	s26 =	simm.s32 $0x3;
	s0 =	simm.s32 $0x5;
	[dreg:$0x5] =	wrdreg s4  }
.LBB2_1:
0x12: {  	[dreg:$0x8] =	wrdreg s8;
	s4 =	simm.s32 $0x0  }
0x13: {  	s7 =	rddreg [dreg:$0x5];
	s13 =	simm.s32 $0x1900;
	s17 =	simm.s32 $0xB  }
0x14: {  	[tilespmem:s13], [sflag:$0xB] =	stream.linear.gather [hbm4b:s7+s4], $0x380, $0x38;
	[tilespmem:$0x15F80] =	vst v63  }
0x15: {  	_ =	swait.ge [sflag:s17], $0x380  }
0x16: {  	[sflag:s17] =	ssyncset.done $0x0  }
0x17: {  	s21 =	rddreg [dreg:$0x6];
	[sflag:s17] =	ssyncadd.s32 $0xFFFFFC80  }
0x18: {  	[tilespmem:s4], [sflag:$0xB] =	stream.linear.gather [hbm4b:s21+s4], $0x1900, $0x38;
	[tilespmem:$0x15F80] =	vst v63  }
0x19: {  	_ =	swait.ge [sflag:s17], $0x1900  }
0x1a: {  	[sflag:s17] =	ssyncset.done $0x0  }
0x1b: {  	[sflag:s17] =	ssyncadd.s32 $0xFFFFE700  }
0x1c: {  	[tilespmem:$0x1C80] =	vst v0  }
0x1d: {  	[tilespmem:$0x1C90] =	vst v1  }
0x1e: {  	[tilespmem:$0x1CA0] =	vst v2  }
0x1f: {  	[tilespmem:$0x1CB0] =	vst v3  }
0x20: {  	[tilespmem:$0x1CC0] =	vst v4  }
0x21: {  	[tilespmem:$0x1CD0] =	vst v5  }
0x22: {  	[tilespmem:$0x1CE0] =	vst v6  }
0x23: {  	[tilespmem:$0x1CF0] =	vst v7  }
0x24: {  	[tilespmem:s15], [sflag:$0x1] =	stream.indirect.gather [hbm4b:s1+s14], $0x80, s4, s14, $0xb8;
	[tilespmem:$0x15F80] =	vst v63  }
0x25: {  	_ = 	snop  }
0x26: {  	[tilespmem:s16], [sflag:$0x2] =	stream.indirect.gather [hbm4b:s1+s14], $0x80, s14, s14, $0xb8;
	[tilespmem:$0x15F80] =	vst v63  }
0x27: {  	s24 =	simm.s32 $0x100;
	s11 =	simm.s32 $0x0  }
0x28: {  	[tilespmem:s18], [sflag:$0x3] =	stream.indirect.gather [hbm4b:s1+s14], $0x80, s24, s14, $0xb8;
	[tilespmem:$0x15F80] =	vst v63  }
.LBB2_2:
0x29: {  	s7 =	smul.u32 $0x5, s11;
	p0 =	seq.s32 s11, $0x0  }
0x2a: {  	s8 =	simm.s32 @!p0 $0x9  }
0x2b: {  	_ =	swait.ge @!p0 [sflag:s8], $0x4000;
	s4 =	sadd.s32 $0x3, s7  }
0x2c: {  	[sflag:s8] =	ssyncset.done @!p0 $0x0;
	s13 =	sshll.u32 s4, $0x7  }
0x2d: {  	[sflag:s8] =	ssyncadd.s32 @!p0 $0xFFFFC000;
	s17 =	sand.u32 $0x3FFFFF80, s13  }
0x2e: {  	[tilespmem:s19], [sflag:$0x4] =	stream.indirect.gather [hbm4b:s1+s14], $0x80, s17, s14, $0xb8;
	[tilespmem:$0x15F80] =	vst v63  }
0x2f: {  	_ =	swait.ge [sflag:s20], $0x4000  }
0x30: {  	[sflag:s20] =	ssyncset.done $0x0  }
0x31: {  	[sflag:s20] =	ssyncadd.s32 $0xFFFFC000  }
0x32: {  	s21 =	sadd.s32 s5, s7;
	v8 =	vld [tilespmem:$0x1C80]  }
0x33: {  	s24 =	sand.u32 $0x7, s21;
	v9 =	vld [tilespmem:$0x1C90]  }
0x34: {  	s13 =	smul.u32 $0x6400, s24;
	v10 =	vld [tilespmem:$0x1CA0]  }
0x35: {  	s8 =	sshrl.u32 s21, $0x3;
	v11 =	vld [tilespmem:$0x1CB0]  }
0x36: {  	s13 =	sadd.s32 s8, s13;
	v12 =	vld [tilespmem:$0x1CC0]  }
0x37: {  	v13 =	vld [tilespmem:$0x1CD0];
	v8 =	vadd.s32 s13, v8  }
0x38: {  	[tilespmem:$0x15D00] =	vst v8;
	v8 =	vadd.s32 s13, v9;
	v9 =	vld [tilespmem:$0x1CE0]  }
0x39: {  	[tilespmem:$0x15D10] =	vst v8;
	v8 =	vadd.s32 s13, v10;
	v10 =	vld [tilespmem:$0x1CF0]  }
0x3a: {  	[tilespmem:$0x15D20] =	vst v8;
	v8 =	vadd.s32 s13, v11  }
0x3b: {  	[tilespmem:$0x15D30] =	vst v8;
	v8 =	vadd.s32 s13, v12  }
0x3c: {  	[tilespmem:$0x15D40] =	vst v8;
	v8 =	vadd.s32 s13, v13  }
0x3d: {  	s8 =	ssub.s32 s8, s6;
	[tilespmem:$0x15D50] =	vst v8;
	v8 =	vadd.s32 s13, v9  }
0x3e: {  	s8 =	sshll.u32 s8, $0x9;
	[tilespmem:$0x15D60] =	vst v8;
	v8 =	vadd.s32 s13, v10  }
0x3f: {  	s8 =	sshra.s32 s8, $0x2;
	[tilespmem:$0x15D70] =	vst v8  }
0x40: {  	v8 =	vld [tilespmem:s8+$0x1900]  }
0x41: {  	v9 =	vld [tilespmem:s8+$0x1910]  }
0x42: {  	v10 =	vld [tilespmem:s8+$0x1920]  }
0x43: {  	v15 =	vld [tilespmem:s8+$0x1970]  }
0x44: {  	v11 =	vld [tilespmem:s8+$0x1930]  }
0x45: {  	v12 =	vld [tilespmem:s8+$0x1940]  }
0x46: {  	v13 =	vld [tilespmem:s8+$0x1950]  }
0x47: {  	s17 =	simm.s32 $0x200;
	s13 =	simm.s32 $0x0;
	v14 =	vld [tilespmem:s8+$0x1960]  }
.LBB2_3:
0x48: {  	p1 =	sne.s32 s17, $0xFE00;
	[tilespmem:s13+$0x1D70] =	vst.add.f32.msk $0xffff, v15  }
0x49: {  	[tilespmem:s13+$0x1D00] =	vst.add.f32.msk $0xffff, v8  }
0x4a: {  	[tilespmem:s13+$0x1D10] =	vst.add.f32.msk $0xffff, v9  }
.Ltmp0:
0x4b: {  	[tilespmem:s13+$0x1D20] =	vst.add.f32.msk $0xffff, v10;
	(pc) =	sbr.rel @p1 .LBB2_3-.Ltmp0, $4  }
0x4c: {  	[tilespmem:s13+$0x1D30] =	vst.add.f32.msk $0xffff, v11  }
0x4d: {  	[tilespmem:s13+$0x1D40] =	vst.add.f32.msk $0xffff, v12  }
0x4e: {  	[tilespmem:s13+$0x1D50] =	vst.add.f32.msk $0xffff, v13  }
0x4f: {  	[tilespmem:s13+$0x1D60] =	vst.add.f32.msk $0xffff, v14;
	s13 =	sshra.s32 s17, $0x2;
	s17 =	sadd.s32 $0x200, s17  }
0x50: {  	[tilespmem:s13+$0x1D70] =	vst.add.f32.msk $0xffff, v15  }
0x51: {  	[tilespmem:s13+$0x1D00] =	vst.add.f32.msk $0xffff, v8  }
0x52: {  	[tilespmem:s13+$0x1D10] =	vst.add.f32.msk $0xffff, v9  }
0x53: {  	[tilespmem:s13+$0x1D20] =	vst.add.f32.msk $0xffff, v10  }
0x54: {  	[tilespmem:s13+$0x1D30] =	vst.add.f32.msk $0xffff, v11  }
0x55: {  	[tilespmem:s13+$0x1D40] =	vst.add.f32.msk $0xffff, v12  }
0x56: {  	[tilespmem:s13+$0x1D50] =	vst.add.f32.msk $0xffff, v13  }
0x57: {  	[tilespmem:s13+$0x1D60] =	vst.add.f32.msk $0xffff, v14;
	s8 =	simm.s32 $0x15D00  }
0x58: {  	[hbm4b:s3+s14] =	stream.indirect.scatter [tilespmem:s15], [sflag:$0x6], $0x80, s8, s14, $0xb8;
	[tilespmem:$0x15F80] =	vst v63  }
0x59: {  	s8 =	simm.s32 @!p0 $0xA  }
0x5a: {  	s17 =	sadd.s32 $0x4, s7;
	_ =	swait.ge @!p0 [sflag:s8], $0x4000  }
0x5b: {  	s24 =	sshll.u32 s17, $0x7;
	[sflag:s8] =	ssyncset.done @!p0 $0x0  }
0x5c: {  	s13 =	sand.u32 $0x3FFFFF80, s24;
	[sflag:s8] =	ssyncadd.s32 @!p0 $0xFFFFC000  }
0x5d: {  	[tilespmem:s22], [sflag:$0x5] =	stream.indirect.gather [hbm4b:s1+s14], $0x80, s13, s14, $0xb8;
	[tilespmem:$0x15F80] =	vst v63  }
0x5e: {  	_ =	swait.ge [sflag:s23], $0x4000  }
0x5f: {  	[sflag:s23] =	ssyncset.done $0x0  }
0x60: {  	[sflag:s23] =	ssyncadd.s32 $0xFFFFC000  }
0x61: {  	s21 =	sadd.s32 s7, s9;
	v8 =	vld [tilespmem:$0x1C80]  }
0x62: {  	s24 =	sand.u32 $0x7, s21;
	v9 =	vld [tilespmem:$0x1C90]  }
0x63: {  	s13 =	smul.u32 $0x6400, s24;
	v10 =	vld [tilespmem:$0x1CA0]  }
0x64: {  	s8 =	sshrl.u32 s21, $0x3;
	v11 =	vld [tilespmem:$0x1CB0]  }
0x65: {  	s13 =	sadd.s32 s8, s13;
	v12 =	vld [tilespmem:$0x1CC0]  }
0x66: {  	v13 =	vld [tilespmem:$0x1CD0];
	v8 =	vadd.s32 s13, v8  }
0x67: {  	[tilespmem:$0x15D80] =	vst v8;
	v8 =	vadd.s32 s13, v9;
	v9 =	vld [tilespmem:$0x1CE0]  }
0x68: {  	[tilespmem:$0x15D90] =	vst v8;
	v8 =	vadd.s32 s13, v10;
	v10 =	vld [tilespmem:$0x1CF0]  }
0x69: {  	[tilespmem:$0x15DA0] =	vst v8;
	v8 =	vadd.s32 s13, v11  }
0x6a: {  	[tilespmem:$0x15DB0] =	vst v8;
	v8 =	vadd.s32 s13, v12  }
0x6b: {  	[tilespmem:$0x15DC0] =	vst v8;
	v8 =	vadd.s32 s13, v13  }
0x6c: {  	s8 =	ssub.s32 s8, s6;
	[tilespmem:$0x15DD0] =	vst v8;
	v8 =	vadd.s32 s13, v9  }
0x6d: {  	s8 =	sshll.u32 s8, $0x9;
	[tilespmem:$0x15DE0] =	vst v8;
	v8 =	vadd.s32 s13, v10  }
0x6e: {  	s8 =	sshra.s32 s8, $0x2;
	[tilespmem:$0x15DF0] =	vst v8  }
0x6f: {  	v8 =	vld [tilespmem:s8+$0x1900]  }
0x70: {  	v9 =	vld [tilespmem:s8+$0x1910]  }
0x71: {  	v10 =	vld [tilespmem:s8+$0x1920]  }
0x72: {  	v15 =	vld [tilespmem:s8+$0x1970]  }
0x73: {  	v11 =	vld [tilespmem:s8+$0x1930]  }
0x74: {  	v12 =	vld [tilespmem:s8+$0x1940]  }
0x75: {  	v13 =	vld [tilespmem:s8+$0x1950]  }
0x76: {  	s13 =	simm.s32 $0x0;
	v14 =	vld [tilespmem:s8+$0x1960];
	s8 =	simm.s32 $0x200  }
.LBB2_5:
0x77: {  	p0 =	sne.s32 s8, $0xFE00;
	[tilespmem:s13+$0x5D70] =	vst.add.f32.msk $0xffff, v15  }
0x78: {  	[tilespmem:s13+$0x5D00] =	vst.add.f32.msk $0xffff, v8  }
0x79: {  	[tilespmem:s13+$0x5D10] =	vst.add.f32.msk $0xffff, v9  }
.Ltmp1:
0x7a: {  	[tilespmem:s13+$0x5D20] =	vst.add.f32.msk $0xffff, v10;
	(pc) =	sbr.rel @p0 .LBB2_5-.Ltmp1, $4  }
0x7b: {  	[tilespmem:s13+$0x5D30] =	vst.add.f32.msk $0xffff, v11  }
0x7c: {  	[tilespmem:s13+$0x5D40] =	vst.add.f32.msk $0xffff, v12  }
0x7d: {  	[tilespmem:s13+$0x5D50] =	vst.add.f32.msk $0xffff, v13  }
0x7e: {  	[tilespmem:s13+$0x5D60] =	vst.add.f32.msk $0xffff, v14;
	s13 =	sshra.s32 s8, $0x2;
	s8 =	sadd.s32 $0x200, s8  }
0x7f: {  	[tilespmem:s13+$0x5D70] =	vst.add.f32.msk $0xffff, v15  }
0x80: {  	[tilespmem:s13+$0x5D00] =	vst.add.f32.msk $0xffff, v8  }
0x81: {  	[tilespmem:s13+$0x5D10] =	vst.add.f32.msk $0xffff, v9  }
0x82: {  	[tilespmem:s13+$0x5D20] =	vst.add.f32.msk $0xffff, v10  }
0x83: {  	[tilespmem:s13+$0x5D30] =	vst.add.f32.msk $0xffff, v11  }
0x84: {  	[tilespmem:s13+$0x5D40] =	vst.add.f32.msk $0xffff, v12  }
0x85: {  	[tilespmem:s13+$0x5D50] =	vst.add.f32.msk $0xffff, v13  }
0x86: {  	[tilespmem:s13+$0x5D60] =	vst.add.f32.msk $0xffff, v14;
	s8 =	simm.s32 $0x15D80;
	p0 =	seq.s32 s11, $0x9  }
0x87: {  	[hbm4b:s3+s14] =	stream.indirect.scatter [tilespmem:s16], [sflag:$0x7], $0x80, s8, s14, $0xb8;
	[tilespmem:$0x15F80] =	vst v63  }
0x88: {  	s8 =	smul.u32 @!p0 $0xA00, s11  }
0x89: {  	_ =	swait.ge [sflag:s25], $0x4000  }
0x8a: {  	s21 =	simm.s32 @!p0 $0x80;
	[sflag:s25] =	ssyncset.done $0x0;
	s13 =	sshra.s32 @!p0 s8, $0x2  }
0x8b: {  	s24 =	simm.s32 @!p0 $0x1D00;
	[sflag:s25] =	ssyncadd.s32 $0xFFFFC000;
	s8 =	sadd.s32 @!p0 $0x280, s13  }
0x8c: {  	[tilespmem:s24], [sflag:$0x1] =	stream.indirect.gather @!p0 [hbm4b:s1+s21], $0x80, s8, s21, $0xb8;
	[tilespmem:$0x15F80] =	vst v63  }
0x8d: {  	_ =	swait.ge [sflag:s26], $0x4000  }
0x8e: {  	[sflag:s26] =	ssyncset.done $0x0  }
0x8f: {  	[sflag:s26] =	ssyncadd.s32 $0xFFFFC000  }
0x90: {  	s7 =	sadd.s32 s7, s10;
	v8 =	vld [tilespmem:$0x1C80]  }
0x91: {  	s24 =	sand.u32 $0x7, s7;
	v9 =	vld [tilespmem:$0x1C90]  }
0x92: {  	s8 =	smul.u32 $0x6400, s24;
	v10 =	vld [tilespmem:$0x1CA0]  }
0x93: {  	s7 =	sshrl.u32 s7, $0x3;
	v11 =	vld [tilespmem:$0x1CB0]  }
0x94: {  	s8 =	sadd.s32 s7, s8;
	v12 =	vld [tilespmem:$0x1CC0]  }
0x95: {  	v13 =	vld [tilespmem:$0x1CD0];
	v8 =	vadd.s32 s8, v8  }
0x96: {  	[tilespmem:$0x15E00] =	vst v8;
	v8 =	vadd.s32 s8, v9;
	v9 =	vld [tilespmem:$0x1CE0]  }
0x97: {  	[tilespmem:$0x15E10] =	vst v8;
	v8 =	vadd.s32 s8, v10;
	v10 =	vld [tilespmem:$0x1CF0]  }
0x98: {  	[tilespmem:$0x15E20] =	vst v8;
	v8 =	vadd.s32 s8, v11  }
0x99: {  	[tilespmem:$0x15E30] =	vst v8;
	v8 =	vadd.s32 s8, v12  }
0x9a: {  	[tilespmem:$0x15E40] =	vst v8;
	v8 =	vadd.s32 s8, v13  }
0x9b: {  	s7 =	ssub.s32 s7, s6;
	[tilespmem:$0x15E50] =	vst v8;
	v8 =	vadd.s32 s8, v9  }
0x9c: {  	s7 =	sshll.u32 s7, $0x9;
	[tilespmem:$0x15E60] =	vst v8;
	v8 =	vadd.s32 s8, v10  }
0x9d: {  	s7 =	sshra.s32 s7, $0x2;
	[tilespmem:$0x15E70] =	vst v8  }
0x9e: {  	v8 =	vld [tilespmem:s7+$0x1900]  }
0x9f: {  	v9 =	vld [tilespmem:s7+$0x1910]  }
0xa0: {  	v10 =	vld [tilespmem:s7+$0x1920]  }
0xa1: {  	v15 =	vld [tilespmem:s7+$0x1970]  }
0xa2: {  	v11 =	vld [tilespmem:s7+$0x1930]  }
0xa3: {  	v12 =	vld [tilespmem:s7+$0x1940]  }
0xa4: {  	v13 =	vld [tilespmem:s7+$0x1950]  }
0xa5: {  	s8 =	simm.s32 $0x200;
	v14 =	vld [tilespmem:s7+$0x1960];
	s7 =	simm.s32 $0x0  }
.LBB2_7:
0xa6: {  	p1 =	sne.s32 s8, $0xFE00;
	[tilespmem:s7+$0x9D70] =	vst.add.f32.msk $0xffff, v15  }
0xa7: {  	[tilespmem:s7+$0x9D00] =	vst.add.f32.msk $0xffff, v8  }
0xa8: {  	[tilespmem:s7+$0x9D10] =	vst.add.f32.msk $0xffff, v9  }
.Ltmp2:
0xa9: {  	[tilespmem:s7+$0x9D20] =	vst.add.f32.msk $0xffff, v10;
	(pc) =	sbr.rel @p1 .LBB2_7-.Ltmp2, $4  }
0xaa: {  	[tilespmem:s7+$0x9D30] =	vst.add.f32.msk $0xffff, v11  }
0xab: {  	[tilespmem:s7+$0x9D40] =	vst.add.f32.msk $0xffff, v12  }
0xac: {  	[tilespmem:s7+$0x9D50] =	vst.add.f32.msk $0xffff, v13  }
0xad: {  	[tilespmem:s7+$0x9D60] =	vst.add.f32.msk $0xffff, v14;
	s7 =	sshra.s32 s8, $0x2;
	s8 =	sadd.s32 $0x200, s8  }
0xae: {  	[tilespmem:s7+$0x9D70] =	vst.add.f32.msk $0xffff, v15  }
0xaf: {  	[tilespmem:s7+$0x9D00] =	vst.add.f32.msk $0xffff, v8  }
0xb0: {  	[tilespmem:s7+$0x9D10] =	vst.add.f32.msk $0xffff, v9  }
0xb1: {  	[tilespmem:s7+$0x9D20] =	vst.add.f32.msk $0xffff, v10  }
0xb2: {  	[tilespmem:s7+$0x9D30] =	vst.add.f32.msk $0xffff, v11  }
0xb3: {  	[tilespmem:s7+$0x9D40] =	vst.add.f32.msk $0xffff, v12  }
0xb4: {  	[tilespmem:s7+$0x9D50] =	vst.add.f32.msk $0xffff, v13  }
0xb5: {  	[tilespmem:s7+$0x9D60] =	vst.add.f32.msk $0xffff, v14  }
0xb6: {  	[hbm4b:s3+s14] =	stream.indirect.scatter [tilespmem:s18], [sflag:$0x8], $0x80, s28, s14, $0xb8;
	[tilespmem:$0x15F80] =	vst v63  }
0xb7: {  	_ =	swait.ge [sflag:s29], $0x4000  }
0xb8: {  	s7 =	sadd.s32 @!p0 $0x300, s13;
	[sflag:s29] =	ssyncset.done $0x0  }
0xb9: {  	s8 =	simm.s32 @!p0 $0x80;
	s21 =	simm.s32 @!p0 $0x5D00;
	[sflag:s29] =	ssyncadd.s32 $0xFFFFC000  }
0xba: {  	[tilespmem:s21], [sflag:$0x2] =	stream.indirect.gather @!p0 [hbm4b:s1+s8], $0x80, s7, s8, $0xb8;
	[tilespmem:$0x15F80] =	vst v63  }
0xbb: {  	_ =	swait.ge [sflag:s30], $0x4000  }
0xbc: {  	[sflag:s30] =	ssyncset.done $0x0  }
0xbd: {  	[sflag:s30] =	ssyncadd.s32 $0xFFFFC000  }
0xbe: {  	s4 =	sadd.s32 s5, s4;
	v8 =	vld [tilespmem:$0x1C80]  }
0xbf: {  	s24 =	sand.u32 $0x7, s4;
	v9 =	vld [tilespmem:$0x1C90]  }
0xc0: {  	s7 =	smul.u32 $0x6400, s24;
	v10 =	vld [tilespmem:$0x1CA0]  }
0xc1: {  	s4 =	sshrl.u32 s4, $0x3;
	v11 =	vld [tilespmem:$0x1CB0]  }
0xc2: {  	s7 =	sadd.s32 s4, s7;
	v12 =	vld [tilespmem:$0x1CC0]  }
0xc3: {  	v13 =	vld [tilespmem:$0x1CD0];
	v8 =	vadd.s32 s7, v8  }
0xc4: {  	[tilespmem:$0x15E80] =	vst v8;
	v8 =	vadd.s32 s7, v9;
	v9 =	vld [tilespmem:$0x1CE0]  }
0xc5: {  	[tilespmem:$0x15E90] =	vst v8;
	v8 =	vadd.s32 s7, v10;
	v10 =	vld [tilespmem:$0x1CF0]  }
0xc6: {  	[tilespmem:$0x15EA0] =	vst v8;
	v8 =	vadd.s32 s7, v11  }
0xc7: {  	[tilespmem:$0x15EB0] =	vst v8;
	v8 =	vadd.s32 s7, v12  }
0xc8: {  	[tilespmem:$0x15EC0] =	vst v8;
	v8 =	vadd.s32 s7, v13  }
0xc9: {  	s4 =	ssub.s32 s4, s6;
	[tilespmem:$0x15ED0] =	vst v8;
	v8 =	vadd.s32 s7, v9  }
0xca: {  	s4 =	sshll.u32 s4, $0x9;
	[tilespmem:$0x15EE0] =	vst v8;
	v8 =	vadd.s32 s7, v10  }
0xcb: {  	s4 =	sshra.s32 s4, $0x2;
	[tilespmem:$0x15EF0] =	vst v8  }
0xcc: {  	v8 =	vld [tilespmem:s4+$0x1900]  }
0xcd: {  	v9 =	vld [tilespmem:s4+$0x1910]  }
0xce: {  	v10 =	vld [tilespmem:s4+$0x1920]  }
0xcf: {  	v15 =	vld [tilespmem:s4+$0x1970]  }
0xd0: {  	v11 =	vld [tilespmem:s4+$0x1930]  }
0xd1: {  	v12 =	vld [tilespmem:s4+$0x1940]  }
0xd2: {  	v13 =	vld [tilespmem:s4+$0x1950]  }
0xd3: {  	s7 =	simm.s32 $0x200;
	v14 =	vld [tilespmem:s4+$0x1960];
	s4 =	simm.s32 $0x0  }
.LBB2_9:
0xd4: {  	p1 =	sne.s32 s7, $0xFE00;
	[tilespmem:s4+$0xDD70] =	vst.add.f32.msk $0xffff, v15  }
0xd5: {  	[tilespmem:s4+$0xDD00] =	vst.add.f32.msk $0xffff, v8  }
0xd6: {  	[tilespmem:s4+$0xDD10] =	vst.add.f32.msk $0xffff, v9  }
.Ltmp3:
0xd7: {  	[tilespmem:s4+$0xDD20] =	vst.add.f32.msk $0xffff, v10;
	(pc) =	sbr.rel @p1 .LBB2_9-.Ltmp3, $4  }
0xd8: {  	[tilespmem:s4+$0xDD30] =	vst.add.f32.msk $0xffff, v11  }
0xd9: {  	[tilespmem:s4+$0xDD40] =	vst.add.f32.msk $0xffff, v12  }
0xda: {  	[tilespmem:s4+$0xDD50] =	vst.add.f32.msk $0xffff, v13  }
0xdb: {  	[tilespmem:s4+$0xDD60] =	vst.add.f32.msk $0xffff, v14;
	s4 =	sshra.s32 s7, $0x2;
	s7 =	sadd.s32 $0x200, s7  }
0xdc: {  	[tilespmem:s4+$0xDD70] =	vst.add.f32.msk $0xffff, v15  }
0xdd: {  	[tilespmem:s4+$0xDD00] =	vst.add.f32.msk $0xffff, v8  }
0xde: {  	[tilespmem:s4+$0xDD10] =	vst.add.f32.msk $0xffff, v9  }
0xdf: {  	[tilespmem:s4+$0xDD20] =	vst.add.f32.msk $0xffff, v10  }
0xe0: {  	[tilespmem:s4+$0xDD30] =	vst.add.f32.msk $0xffff, v11  }
0xe1: {  	[tilespmem:s4+$0xDD40] =	vst.add.f32.msk $0xffff, v12  }
0xe2: {  	[tilespmem:s4+$0xDD50] =	vst.add.f32.msk $0xffff, v13  }
0xe3: {  	[tilespmem:s4+$0xDD60] =	vst.add.f32.msk $0xffff, v14  }
0xe4: {  	[hbm4b:s3+s14] =	stream.indirect.scatter [tilespmem:s19], [sflag:$0x9], $0x80, s31, s14, $0xb8;
	[tilespmem:$0x15F80] =	vst v63  }
0xe5: {  	_ =	swait.ge [sflag:s2], $0x4000  }
0xe6: {  	s4 =	sadd.s32 @!p0 $0x380, s13;
	[sflag:s2] =	ssyncset.done $0x0  }
0xe7: {  	s7 =	simm.s32 @!p0 $0x80;
	s8 =	simm.s32 @!p0 $0x9D00;
	[sflag:s2] =	ssyncadd.s32 $0xFFFFC000  }
0xe8: {  	[tilespmem:s8], [sflag:$0x3] =	stream.indirect.gather @!p0 [hbm4b:s1+s7], $0x80, s4, s7, $0xb8;
	[tilespmem:$0x15F80] =	vst v63  }
0xe9: {  	_ =	swait.ge [sflag:s0], $0x4000  }
0xea: {  	[sflag:s0] =	ssyncset.done $0x0  }
0xeb: {  	[sflag:s0] =	ssyncadd.s32 $0xFFFFC000  }
0xec: {  	s21 =	sadd.s32 s5, s17;
	v8 =	vld [tilespmem:$0x1C80]  }
0xed: {  	s24 =	sand.u32 $0x7, s21;
	v9 =	vld [tilespmem:$0x1C90]  }
0xee: {  	s7 =	smul.u32 $0x6400, s24;
	v10 =	vld [tilespmem:$0x1CA0]  }
0xef: {  	s4 =	sshrl.u32 s21, $0x3;
	v11 =	vld [tilespmem:$0x1CB0]  }
0xf0: {  	s7 =	sadd.s32 s4, s7;
	v12 =	vld [tilespmem:$0x1CC0]  }
0xf1: {  	v13 =	vld [tilespmem:$0x1CD0];
	v8 =	vadd.s32 s7, v8  }
0xf2: {  	[tilespmem:$0x15F00] =	vst v8;
	v8 =	vadd.s32 s7, v9;
	v9 =	vld [tilespmem:$0x1CE0]  }
0xf3: {  	[tilespmem:$0x15F10] =	vst v8;
	v8 =	vadd.s32 s7, v10;
	v10 =	vld [tilespmem:$0x1CF0]  }
0xf4: {  	[tilespmem:$0x15F20] =	vst v8;
	v8 =	vadd.s32 s7, v11  }
0xf5: {  	[tilespmem:$0x15F30] =	vst v8;
	v8 =	vadd.s32 s7, v12  }
0xf6: {  	[tilespmem:$0x15F40] =	vst v8;
	v8 =	vadd.s32 s7, v13  }
0xf7: {  	s4 =	ssub.s32 s4, s6;
	[tilespmem:$0x15F50] =	vst v8;
	v8 =	vadd.s32 s7, v9  }
0xf8: {  	s4 =	sshll.u32 s4, $0x9;
	[tilespmem:$0x15F60] =	vst v8;
	v8 =	vadd.s32 s7, v10  }
0xf9: {  	s4 =	sshra.s32 s4, $0x2;
	[tilespmem:$0x15F70] =	vst v8  }
0xfa: {  	v8 =	vld [tilespmem:s4+$0x1900]  }
0xfb: {  	v9 =	vld [tilespmem:s4+$0x1910]  }
0xfc: {  	v10 =	vld [tilespmem:s4+$0x1920]  }
0xfd: {  	v15 =	vld [tilespmem:s4+$0x1970]  }
0xfe: {  	v11 =	vld [tilespmem:s4+$0x1930]  }
0xff: {  	v12 =	vld [tilespmem:s4+$0x1940]  }
0x100: {  	v13 =	vld [tilespmem:s4+$0x1950]  }
0x101: {  	s7 =	simm.s32 $0x200;
	v14 =	vld [tilespmem:s4+$0x1960];
	s4 =	simm.s32 $0x0  }
.LBB2_11:
0x102: {  	p0 =	sne.s32 s7, $0xFE00;
	[tilespmem:s4+$0x11D70] =	vst.add.f32.msk $0xffff, v15  }
0x103: {  	[tilespmem:s4+$0x11D00] =	vst.add.f32.msk $0xffff, v8  }
0x104: {  	[tilespmem:s4+$0x11D10] =	vst.add.f32.msk $0xffff, v9  }
.Ltmp4:
0x105: {  	[tilespmem:s4+$0x11D20] =	vst.add.f32.msk $0xffff, v10;
	(pc) =	sbr.rel @p0 .LBB2_11-.Ltmp4, $4  }
0x106: {  	[tilespmem:s4+$0x11D30] =	vst.add.f32.msk $0xffff, v11  }
0x107: {  	[tilespmem:s4+$0x11D40] =	vst.add.f32.msk $0xffff, v12  }
0x108: {  	[tilespmem:s4+$0x11D50] =	vst.add.f32.msk $0xffff, v13  }
0x109: {  	[tilespmem:s4+$0x11D60] =	vst.add.f32.msk $0xffff, v14;
	s4 =	sshra.s32 s7, $0x2;
	s7 =	sadd.s32 $0x200, s7  }
0x10a: {  	[tilespmem:s4+$0x11D70] =	vst.add.f32.msk $0xffff, v15  }
0x10b: {  	[tilespmem:s4+$0x11D00] =	vst.add.f32.msk $0xffff, v8  }
0x10c: {  	[tilespmem:s4+$0x11D10] =	vst.add.f32.msk $0xffff, v9;
	s11 =	sadd.s32 $0x1, s11  }
0x10d: {  	[tilespmem:s4+$0x11D20] =	vst.add.f32.msk $0xffff, v10;
	p0 =	sne.s32 s11, $0xA  }
.Ltmp5:
0x10e: {  	[tilespmem:s4+$0x11D30] =	vst.add.f32.msk $0xffff, v11;
	(pc) =	sbr.rel @p0 .LBB2_2-.Ltmp5, $4  }
0x10f: {  	[tilespmem:s4+$0x11D40] =	vst.add.f32.msk $0xffff, v12  }
0x110: {  	[tilespmem:s4+$0x11D50] =	vst.add.f32.msk $0xffff, v13  }
0x111: {  	[tilespmem:s4+$0x11D60] =	vst.add.f32.msk $0xffff, v14  }
0x112: {  	[hbm4b:s3+s14] =	stream.indirect.scatter [tilespmem:s22], [sflag:$0xA], $0x80, s12, s14, $0xb8;
	[tilespmem:$0x15F80] =	vst v63  }
0x113: {  	s4 =	simm.s32 $0x9  }
0x114: {  	_ =	swait.ge [sflag:s4], $0x4000  }
0x115: {  	[sflag:s4] =	ssyncset.done $0x0  }
0x116: {  	s7 =	simm.s32 $0xA;
	[sflag:s4] =	ssyncadd.s32 $0xFFFFC000  }
0x117: {  	_ =	swait.ge [sflag:s7], $0x4000  }
0x118: {  	s8 =	rddreg [dreg:$0x8]  }
0x119: {  	s24 =	rddreg [dreg:$0x7];
	s8 =	sadd.s32 $0x1, s8  }
0x11a: {  	p0 =	sne.s32 s8, s24  }
.Ltmp6:
0x11b: {  	_ = 	snop;
	(pc) =	sbr.rel @p0 .LBB2_1-.Ltmp6, $3  }
0x11c: {  	_ =	sdelay $0x1  }
0x11d: {  	[sflag:s7] =	ssyncset.done $0x0  }
0x11e: {  	[sflag:s7] =	ssyncadd.s32 $0xFFFFC000  }
0x11f: {  	_ =	sfence.sel $0x180000  }
0x120: {  	[bflag:$0x0] =	sbarrier.arrive $0xFFFF  }
0x121: {  	_ =	strace $0x90000047  }
0x122: {  	s0 =	stileid.u32;
	[bflag:$0x2] =	sbarrier.arrive $0xFFFF  }
0x123: {  	p0 =	sne.s32 s0, $0x0;
	s0 =	rddreg [dreg:$0x4]  }
0x124: {  	s0 =	sadd.s32 @!p0 $0x100000, s0  }
0x125: {  	[sflag:s0] =	ssyncadd.tile.s32 @!p0 $0x1;
	_ =	shalt  }
.Lfunc_end2:
_tile_overlayer_lowered:
.L_overlay_start_2:
0x126: {  	(tag) =	ssettag $0x2  }
0x127: {  	s0 =	rddreg [dreg:$0x0];
	s2 =	stileid.u32  }
0x128: {  	s1 =	rddreg [dreg:$0x1];
	p0 =	sne.s32 s2, $0x0  }
0x129: {  	s3 =	rddreg [dreg:$0x2];
	[bflag:$0x3] =	sbarrier.arrive $0xFFFF;
	s2 =	simm.s32 @!p0 $0x1C0B  }
0x12a: {  	[timem:s3], [sflag:s2] =	dma.local @!p0 [hbm:s0], s1  }
0x12b: {  	s0 =	simm.s32 @!p0 $0xB  }
0x12c: {  	_ =	swait.ge @!p0 [sflag:s0], s1  }
0x12d: {  	s1 =	ssub.s32 @!p0 $0x0, s1;
	[sflag:s0] =	ssyncset.done @!p0 $0x0  }
0x12e: {  	[sflag:s0] =	ssyncadd.s32 @!p0 s1  }
0x12f: {  	[bflag:$0x3] =	sbarrier.arrive $0xFFFF  }
0x130: {  	_ =	shalt  }

</sc_bundles>
